<compile_context>
chip_gen: v7x
topology: tpu7x:2x2x1
jax: 0.10.2.dev20260603
libtpu: 0.0.44.dev20260713+nightly
codegen_flags: <defaults>
</compile_context>

<pallas_src>
import functools

import jax
import jax.numpy as jnp
from jax import lax
from jax.experimental import pallas as pl
from jax.experimental.pallas import tpu as pltpu
from jax.experimental.pallas import tpu_sc as plsc

N = 10000
D = 128
E = 320000
EPS = 1e-5

NC = 2
NS = 16
NW = NC * NS
EPW = E // NW
CH = 125
NCHUNK = EPW // CH
IC = 40
NPAD = 10240
RPT = NPAD // NS

_mesh = lambda: plsc.VectorSubcoreMesh(
    core_axis_name="c", subcore_axis_name="s", num_cores=NC, num_subcores=NS)



def _sc_degree(dst3, ones_ch, zeros1):

    @functools.partial(
        pl.kernel,
        out_type=jax.ShapeDtypeStruct((NC, NPAD), jnp.float32),
        mesh=_mesh(),
        scratch_types=[
            pltpu.VMEM((NCHUNK, CH), jnp.int32),
            pltpu.VMEM((CH,), jnp.float32),
            pltpu.VMEM_SHARED((NPAD,), jnp.float32),
        ],
    )
    def k(dst_ref, ones_ref, z_ref, out_ref, dst_v, ones_v, acc_sh):
        c = lax.axis_index("c")
        s = lax.axis_index("s")
        wid = s * NC + c
        pltpu.sync_copy(z_ref.at[pl.ds(s * RPT, RPT)],
                        acc_sh.at[pl.ds(s * RPT, RPT)])
        pltpu.sync_copy(dst_ref.at[wid], dst_v)
        pltpu.sync_copy(ones_ref, ones_v)
        plsc.subcore_barrier()

        def body(j, carry):
            pltpu.sync_copy(ones_v, acc_sh.at[dst_v.at[j]], add=True)
            return carry

        lax.fori_loop(0, NCHUNK, body, 0)
        plsc.subcore_barrier()
        pltpu.sync_copy(acc_sh.at[pl.ds(s * RPT, RPT)],
                        out_ref.at[c, pl.ds(s * RPT, RPT)])

    return k(dst3, ones_ch, zeros1)


def _sc_aggregate(h, src3, dst3, zeros2):

    @functools.partial(
        pl.kernel,
        out_type=jax.ShapeDtypeStruct((NC, NPAD, D), jnp.float32),
        mesh=_mesh(),
        scratch_types=[
            pltpu.VMEM((IC, CH), jnp.int32),
            pltpu.VMEM((IC, CH), jnp.int32),
            pltpu.VMEM((CH, D), jnp.float32),
            pltpu.VMEM((CH, D), jnp.float32),
            pltpu.VMEM_SHARED((NPAD, D), jnp.float32),
            pltpu.SemaphoreType.DMA,
            pltpu.SemaphoreType.DMA,
        ],
    )
    def k(h_ref, src_ref, dst_ref, z_ref, out_ref,
          src_v, dst_v, rows0, rows1, acc_sh, sem0, sem1):
        c = lax.axis_index("c")
        s = lax.axis_index("s")
        wid = s * NC + c
        pltpu.sync_copy(z_ref.at[pl.ds(s * RPT, RPT)],
                        acc_sh.at[pl.ds(s * RPT, RPT)])
        plsc.subcore_barrier()

        def grp(g, carry0):
            pltpu.sync_copy(src_ref.at[wid, pl.ds(g * IC, IC)], src_v)
            pltpu.sync_copy(dst_ref.at[wid, pl.ds(g * IC, IC)], dst_v)
            pltpu.async_copy(h_ref.at[src_v.at[0]], rows0, sem0)

            def body(i, carry):
                j0 = 2 * i
                pltpu.make_async_copy(
                    h_ref.at[src_v.at[j0]], rows0, sem0).wait()
                pltpu.async_copy(h_ref.at[src_v.at[j0 + 1]], rows1, sem1)
                pltpu.sync_copy(rows0, acc_sh.at[dst_v.at[j0]], add=True)
                pltpu.make_async_copy(
                    h_ref.at[src_v.at[j0 + 1]], rows1, sem1).wait()

                @pl.when(j0 + 2 < IC)
                def _():
                    pltpu.async_copy(h_ref.at[src_v.at[j0 + 2]], rows0, sem0)

                pltpu.sync_copy(rows1, acc_sh.at[dst_v.at[j0 + 1]], add=True)
                return carry

            lax.fori_loop(0, IC // 2, body, 0)
            return carry0

        lax.fori_loop(0, NCHUNK // IC, grp, 0)
        plsc.subcore_barrier()
        pltpu.sync_copy(acc_sh.at[pl.ds(s * RPT, RPT)],
                        out_ref.at[c, pl.ds(s * RPT, RPT)])

    return k(h, src3, dst3, zeros2)



_R = 1000
_G = N // _R


def _tc_prep(deg2, features):

    def body(deg_ref, f_ref, dinv_ref, h1_ref):
        deg = jnp.sum(deg_ref[...], axis=1, keepdims=True)
        dinv = lax.rsqrt(jnp.maximum(deg, 1.0))
        dinv_ref[...] = dinv
        h1_ref[...] = f_ref[...] * dinv

    return pl.pallas_call(
        body,
        grid=(_G,),
        in_specs=[
            pl.BlockSpec((_R, 2), lambda i: (i, 0)),
            pl.BlockSpec((_R, D), lambda i: (i, 0)),
        ],
        out_specs=[
            pl.BlockSpec((_R, 1), lambda i: (i, 0)),
            pl.BlockSpec((_R, D), lambda i: (i, 0)),
        ],
        out_shape=[
            jax.ShapeDtypeStruct((N, 1), jnp.float32),
            jax.ShapeDtypeStruct((N, D), jnp.float32),
        ],
    )(deg2, features)


def _tc_conv1bn(features, parts, dinv, W1, b1, gamma, beta):

    def body(f_ref, p_ref, dinv_ref, w_ref, b_ref, g_ref, be_ref,
             xbn_ref, h2_ref, x1_scr, st_scr):
        i = pl.program_id(0)

        @pl.when(i < _G)
        def _():
            agg = p_ref[0] + p_ref[1]
            x1 = -(agg * dinv_ref[...])
            t = jnp.dot(f_ref[...], w_ref[0:D, :],
                        preferred_element_type=jnp.float32)
            t += jnp.dot(x1, w_ref[D:2 * D, :],
                         preferred_element_type=jnp.float32)
            x = jnp.maximum(t + b_ref[...], 0.0)
            x1_scr[pl.ds(i * _R, _R), :] = x
            loc = jnp.concatenate(
                [jnp.sum(x, axis=0, keepdims=True),
                 jnp.sum(x * x, axis=0, keepdims=True)], axis=0)

            @pl.when(i == 0)
            def _():
                st_scr[...] = loc

            @pl.when(i > 0)
            def _():
                st_scr[...] += loc

        @pl.when(i >= _G)
        def _():
            mu = st_scr[0:1, :] * (1.0 / N)
            var = st_scr[1:2, :] * (1.0 / N) - mu * mu
            a = lax.rsqrt(var + EPS) * g_ref[...]
            bcol = be_ref[...] - a * mu
            x = x1_scr[pl.ds((i - _G) * _R, _R), :]
            xbn = a * x + bcol
            xbn_ref[...] = xbn
            h2_ref[...] = xbn * dinv_ref[...]

    ph = lambda i: jnp.where(i < _G, i, 0)
    return pl.pallas_call(
        body,
        grid=(2 * _G,),
        in_specs=[
            pl.BlockSpec((_R, D), lambda i: (ph(i), 0)),
            pl.BlockSpec((NC, _R, D), lambda i: (0, ph(i), 0)),
            pl.BlockSpec((_R, 1), lambda i: (lax.rem(i, _G), 0)),
            pl.BlockSpec((2 * D, D), lambda i: (0, 0)),
            pl.BlockSpec((1, D), lambda i: (0, 0)),
            pl.BlockSpec((1, D), lambda i: (0, 0)),
            pl.BlockSpec((1, D), lambda i: (0, 0)),
        ],
        out_specs=[
            pl.BlockSpec((_R, D), lambda i: (jnp.maximum(i - _G, 0), 0)),
            pl.BlockSpec((_R, D), lambda i: (jnp.maximum(i - _G, 0), 0)),
        ],
        out_shape=[
            jax.ShapeDtypeStruct((N, D), jnp.float32),
            jax.ShapeDtypeStruct((N, D), jnp.float32),
        ],
        scratch_shapes=[
            pltpu.VMEM((N, D), jnp.float32),
            pltpu.VMEM((2, D), jnp.float32),
        ],
    )(features, parts, dinv, W1, b1, gamma, beta)


def _tc_final(xbn, parts, dinv, W2, b2, Wm1, bm1, Wm2, bm2):

    def body(x_ref, p_ref, dinv_ref, w2_ref, b2_ref,
             wm1_ref, bm1_ref, wm2_ref, bm2_ref, out_ref):
        xbn = x_ref[...]
        agg = p_ref[0] + p_ref[1]
        x1 = -(agg * dinv_ref[...])
        t = jnp.dot(xbn, w2_ref[0:D, :], preferred_element_type=jnp.float32)
        t += jnp.dot(x1, w2_ref[D:2 * D, :], preferred_element_type=jnp.float32)
        x = jnp.maximum(t + b2_ref[...], 0.0) + xbn
        h = jnp.maximum(
            jnp.dot(x, wm1_ref[...], preferred_element_type=jnp.float32)
            + bm1_ref[...], 0.0)
        out_ref[...] = (jnp.dot(h, wm2_ref[...],
                                preferred_element_type=jnp.float32)
                        + bm2_ref[...])

    return pl.pallas_call(
        body,
        grid=(_G,),
        in_specs=[
            pl.BlockSpec((_R, D), lambda i: (i, 0)),
            pl.BlockSpec((NC, _R, D), lambda i: (0, i, 0)),
            pl.BlockSpec((_R, 1), lambda i: (i, 0)),
            pl.BlockSpec((2 * D, D), lambda i: (0, 0)),
            pl.BlockSpec((1, D), lambda i: (0, 0)),
            pl.BlockSpec((D, D), lambda i: (0, 0)),
            pl.BlockSpec((1, D), lambda i: (0, 0)),
            pl.BlockSpec((D, D), lambda i: (0, 0)),
            pl.BlockSpec((1, D), lambda i: (0, 0)),
        ],
        out_specs=pl.BlockSpec((_R, D), lambda i: (i, 0)),
        out_shape=jax.ShapeDtypeStruct((N, D), jnp.float32),
    )(xbn, parts, dinv, W2, b2, Wm1, bm1, Wm2, bm2)



def kernel(features, edge_index, W1, b1, W2, b2, gamma, beta, Wm1, bm1, Wm2, bm2):
    src3 = edge_index[0].reshape(NW, NCHUNK, CH)
    dst3 = edge_index[1].reshape(NW, NCHUNK, CH)
    ones_ch = jnp.ones((CH,), jnp.float32)
    zeros1 = jnp.zeros((NPAD,), jnp.float32)
    zeros2 = jnp.zeros((NPAD, D), jnp.float32)

    deg_parts = _sc_degree(dst3, ones_ch, zeros1)
    deg2 = deg_parts[:, :N].T

    dinv, h1 = _tc_prep(deg2, features)
    parts1 = _sc_aggregate(h1, src3, dst3, zeros2)
    xbn, h2 = _tc_conv1bn(features, parts1, dinv, W1, b1.reshape(1, D),
                          gamma.reshape(1, D), beta.reshape(1, D))
    parts2 = _sc_aggregate(h2, src3, dst3, zeros2)
    return _tc_final(xbn, parts2, dinv, W2, b2.reshape(1, D),
                     Wm1, bm1.reshape(1, D), Wm2, bm2.reshape(1, D))

# --- scband reference (transcript-rebuilt; emitter-appended) ---
"""Pipeline reference for scband-acgnn-59940563583282 (READ-ONLY COPY).

The authoritative reference and input builder live on the scoring server;
editing this copy changes nothing except your own understanding.
"""

import jax, jax.numpy as jnp
import numpy as np

N = 10000
D_IN = 128
D_HID = 128
D_OUT = 128
K = 2
E = 320000
EPS = 1e-5


def setup_inputs(seed: int = 0) -> dict:
    key = jax.random.key(seed)
    ks = jax.random.split(key, 12)
    features = jax.random.normal(ks[0], (N, D_IN), dtype=jnp.float32)
    edge_index = jax.random.randint(ks[1], (2, E), 0, N, dtype=jnp.int32)
    # ChebConv 1: linear over concatenated k*in_feats
    W1 = jax.random.normal(ks[2], (K * D_IN, D_HID), dtype=jnp.float32) / np.sqrt(K * D_IN)
    b1 = jnp.zeros((D_HID,), dtype=jnp.float32)
    # ChebConv 2
    W2 = jax.random.normal(ks[3], (K * D_HID, D_HID), dtype=jnp.float32) / np.sqrt(K * D_HID)
    b2 = jnp.zeros((D_HID,), dtype=jnp.float32)
    # BatchNorm1d params
    gamma = jnp.ones((D_HID,), dtype=jnp.float32)
    beta = jnp.zeros((D_HID,), dtype=jnp.float32)
    # MLP
    Wm1 = jax.random.normal(ks[4], (D_HID, D_HID), dtype=jnp.float32) / np.sqrt(D_HID)
    bm1 = jnp.zeros((D_HID,), dtype=jnp.float32)
    Wm2 = jax.random.normal(ks[5], (D_HID, D_OUT), dtype=jnp.float32) / np.sqrt(D_HID)
    bm2 = jnp.zeros((D_OUT,), dtype=jnp.float32)
    return {"features": features, "edge_index": edge_index, "W1": W1, "b1": b1,
            "W2": W2, "b2": b2, "gamma": gamma, "beta": beta,
            "Wm1": Wm1, "bm1": bm1, "Wm2": Wm2, "bm2": bm2}


def _cheb_conv(x, src, dst, W, b):
    # DGL ChebConv with lambda_max = 2 (re_norm = 1)
    deg = jnp.bincount(dst, length=N).astype(jnp.float32)
    deg = jnp.clip(deg, 1.0, None)
    d_invsqrt = (deg ** -0.5)[:, None]

    def unn_laplacian(f):
        # f * D^-1/2 A D^-1/2 via copy_u + sum to dst
        h = f * d_invsqrt
        agg = jax.ops.segment_sum(h[src], dst, num_segments=N)
        return agg * d_invsqrt

    X0 = x
    h = unn_laplacian(X0)
    # X1 = -re_norm * h + X0 * (re_norm - 1), re_norm = 1
    X1 = -h
    Xt = jnp.concatenate([X0, X1], axis=1)
    return Xt @ W + b


def reference(features, edge_index, W1, b1, W2, b2, gamma, beta, Wm1, bm1, Wm2, bm2):
    src = edge_index[0]
    dst = edge_index[1]
    x = jax.nn.relu(_cheb_conv(features, src, dst, W1, b1))
    # BatchNorm1d (batch statistics, biased variance, as in torch training mode)
    mu = jnp.mean(x, axis=0)
    var = jnp.mean((x - mu) ** 2, axis=0)
    x = (x - mu) / jnp.sqrt(var + EPS) * gamma + beta
    x_res = x
    x = jax.nn.relu(_cheb_conv(x, src, dst, W2, b2))
    # dropout is identity (deterministic reference)
    x = x + x_res
    h = jax.nn.relu(x @ Wm1 + bm1)
    return h @ Wm2 + bm2

if __name__ == "__main__":
    import jax
    _d = setup_inputs()
    print(jax.jit(kernel)(*tuple(_d.values())))

</pallas_src>

<mosaic_0001>
#map = affine_map<(d0, d1) -> (0, 0, 0)>
#map1 = affine_map<(d0, d1) -> (0)>
#map2 = affine_map<(d0, d1) -> (0, 0)>
module attributes {stable_mosaic.version = 14 : i64} {
  func.func @k(%arg0: i32, %arg1: i32, %arg2: memref<32x80x125xi32, #tpu.memory_space<hbm>>, %arg3: memref<125xf32, #tpu.memory_space<hbm>>, %arg4: memref<10240xf32, #tpu.memory_space<hbm>>, %arg5: memref<2x10240xf32, #tpu.memory_space<hbm>>, %arg6: memref<80x125xi32, #tpu.memory_space<vmem>>, %arg7: memref<125xf32, #tpu.memory_space<vmem>>, %arg8: memref<10240xf32, #tpu.memory_space<vmem_shared>>) attributes {dimension_semantics = [#tpu.dimension_semantics<core_parallel>, #tpu.dimension_semantics<subcore_parallel>], iteration_bounds = array<i64: 2, 16>, scalar_prefetch = 0 : i64, scratch_operands = 3 : i64, tpu.core_type = #tpu.core_type<sc_vector_subcore>, window_params = [{transform_indices = #map}, {transform_indices = #map1}, {transform_indices = #map1}, {transform_indices = #map2}]} {
    %mul3A = arith.constant 2 : i32
    %mul3A_0 = arith.muli %arg1, %mul3A : i32
    %add3A = arith.addi %mul3A_0, %arg0 : i32
    %mul3A_1 = arith.constant 640 : i32
    %mul3A_2 = arith.muli %arg1, %mul3A_1 : i32
    %mul3A_3 = arith.constant 640 : i32
    %mul3A_4 = arith.muli %arg1, %mul3A_3 : i32
    "tpu.region"() ({
      %run_scoped3A = tpu.sem_alloc : memref<!tpu.dma_semaphore, #tpu.memory_space<semaphore_mem>>
      %dma_start3A = tpu.memref_slice %arg8[%mul3A_4] : memref<10240xf32, #tpu.memory_space<vmem_shared>> -> memref<640xf32, #tpu.memory_space<vmem_shared>>
      %dma_start3A_15 = tpu.memref_slice %arg4[%mul3A_2] : memref<10240xf32, #tpu.memory_space<hbm>> -> memref<640xf32, #tpu.memory_space<hbm>>
      tpu.enqueue_dma source(%dma_start3A_15 : memref<640xf32, #tpu.memory_space<hbm>>) target(%dma_start3A : memref<640xf32, #tpu.memory_space<vmem_shared>>) target_semaphore(%run_scoped3A : memref<!tpu.dma_semaphore, #tpu.memory_space<semaphore_mem>>)
      %dma_wait3A = tpu.memref_slice %arg8[%mul3A_4] : memref<10240xf32, #tpu.memory_space<vmem_shared>> -> memref<640xf32, #tpu.memory_space<vmem_shared>>
      %dma_wait3A_16 = tpu.memref_slice %arg4[%mul3A_2] : memref<10240xf32, #tpu.memory_space<hbm>> -> memref<640xf32, #tpu.memory_space<hbm>>
      tpu.wait_dma2 semaphore(%run_scoped3A : memref<!tpu.dma_semaphore, #tpu.memory_space<semaphore_mem>>) src(%dma_wait3A_16 : memref<640xf32, #tpu.memory_space<hbm>>) dst(%dma_wait3A : memref<640xf32, #tpu.memory_space<vmem_shared>>)
      tpu.yield
    }) : () -> ()
    "tpu.region"() ({
      %run_scoped3A = tpu.sem_alloc : memref<!tpu.dma_semaphore, #tpu.memory_space<semaphore_mem>>
      %dma_start3A = arith.constant 0 : i32
      %dma_start3A_15 = arith.constant 0 : i32
      %dma_start3A_16 = tpu.memref_slice %arg2[%add3A, %dma_start3A, %dma_start3A_15] : memref<32x80x125xi32, #tpu.memory_space<hbm>> -> memref<1x80x125xi32, #tpu.memory_space<hbm>>
      %dma_start3A_17 = tpu.memref_squeeze %dma_start3A_16 : memref<1x80x125xi32, #tpu.memory_space<hbm>> -> memref<80x125xi32, #tpu.memory_space<hbm>>
      %dma_start3A_18 = arith.constant 0 : i32
      %dma_start3A_19 = arith.constant 0 : i32
      %dma_start3A_20 = tpu.memref_slice %arg2[%add3A, %dma_start3A_18, %dma_start3A_19] : memref<32x80x125xi32, #tpu.memory_space<hbm>> -> memref<1x80x125xi32, #tpu.memory_space<hbm>>
      %dma_start3A_21 = tpu.memref_squeeze %dma_start3A_20 : memref<1x80x125xi32, #tpu.memory_space<hbm>> -> memref<80x125xi32, #tpu.memory_space<hbm>>
      tpu.enqueue_dma source(%dma_start3A_21 : memref<80x125xi32, #tpu.memory_space<hbm>>) target(%arg6 : memref<80x125xi32, #tpu.memory_space<vmem>>) target_semaphore(%run_scoped3A : memref<!tpu.dma_semaphore, #tpu.memory_space<semaphore_mem>>)
      %dma_wait3A = arith.constant 0 : i32
      %dma_wait3A_22 = arith.constant 0 : i32
      %dma_wait3A_23 = tpu.memref_slice %arg2[%add3A, %dma_wait3A, %dma_wait3A_22] : memref<32x80x125xi32, #tpu.memory_space<hbm>> -> memref<1x80x125xi32, #tpu.memory_space<hbm>>
      %dma_wait3A_24 = tpu.memref_squeeze %dma_wait3A_23 : memref<1x80x125xi32, #tpu.memory_space<hbm>> -> memref<80x125xi32, #tpu.memory_space<hbm>>
      %dma_wait3A_25 = arith.constant 0 : i32
      %dma_wait3A_26 = arith.constant 0 : i32
      %dma_wait3A_27 = tpu.memref_slice %arg2[%add3A, %dma_wait3A_25, %dma_wait3A_26] : memref<32x80x125xi32, #tpu.memory_space<hbm>> -> memref<1x80x125xi32, #tpu.memory_space<hbm>>
      %dma_wait3A_28 = tpu.memref_squeeze %dma_wait3A_27 : memref<1x80x125xi32, #tpu.memory_space<hbm>> -> memref<80x125xi32, #tpu.memory_space<hbm>>
      tpu.wait_dma2 semaphore(%run_scoped3A : memref<!tpu.dma_semaphore, #tpu.memory_space<semaphore_mem>>) src(%dma_wait3A_28 : memref<80x125xi32, #tpu.memory_space<hbm>>) dst(%arg6 : memref<80x125xi32, #tpu.memory_space<vmem>>)
      tpu.yield
    }) : () -> ()
    "tpu.region"() ({
      %run_scoped3A = tpu.sem_alloc : memref<!tpu.dma_semaphore, #tpu.memory_space<semaphore_mem>>
      tpu.enqueue_dma source(%arg3 : memref<125xf32, #tpu.memory_space<hbm>>) target(%arg7 : memref<125xf32, #tpu.memory_space<vmem>>) target_semaphore(%run_scoped3A : memref<!tpu.dma_semaphore, #tpu.memory_space<semaphore_mem>>)
      tpu.wait_dma2 semaphore(%run_scoped3A : memref<!tpu.dma_semaphore, #tpu.memory_space<semaphore_mem>>) src(%arg3 : memref<125xf32, #tpu.memory_space<hbm>>) dst(%arg7 : memref<125xf32, #tpu.memory_space<vmem>>)
      tpu.yield
    }) : () -> ()
    %barrier3A = arith.constant 0 : index
    tpu.barrier barrier_id(%barrier3A)
    %scan3A = arith.constant 0 : i32
    %scan3A_5 = arith.constant 0 : i32
    %scan3A_6 = arith.constant 80 : i32
    %scan3A_7 = arith.addi %scan3A_5, %scan3A_6 : i32
    %scan3A_8 = arith.constant 1 : i32
    scf.for %scan3A_15 = %scan3A_5 to %scan3A_7 step %scan3A_8  : i32 {
      "tpu.region"() ({
        %run_scoped3A = tpu.sem_alloc : memref<!tpu.dma_semaphore, #tpu.memory_space<semaphore_mem>>
        %dma_start3A = arith.constant 0 : i32
        %dma_start3A_16 = tpu.memref_slice %arg6[%scan3A_15, %dma_start3A] : memref<80x125xi32, #tpu.memory_space<vmem>> -> memref<1x125xi32, #tpu.memory_space<vmem>>
        %dma_start3A_17 = tpu.memref_squeeze %dma_start3A_16 : memref<1x125xi32, #tpu.memory_space<vmem>> -> memref<125xi32, #tpu.memory_space<vmem>>
        %dma_start3A_18 = arith.constant 0 : i32
        %dma_start3A_19 = tpu.memref_slice %arg8[%dma_start3A_18] : memref<10240xf32, #tpu.memory_space<vmem_shared>> -> memref<10240xf32, #tpu.memory_space<vmem_shared>>
        tpu.enqueue_indirect_dma source(%arg7 : memref<125xf32, #tpu.memory_space<vmem>>) target(%dma_start3A_19 : memref<10240xf32, #tpu.memory_space<vmem_shared>>) offsets(%dma_start3A_17 : memref<125xi32, #tpu.memory_space<vmem>>) semaphore(%run_scoped3A : memref<!tpu.dma_semaphore, #tpu.memory_space<semaphore_mem>>) {add = true}
        %dma_wait3A = arith.constant 0 : i32
        %dma_wait3A_20 = tpu.memref_slice %arg6[%scan3A_15, %dma_wait3A] : memref<80x125xi32, #tpu.memory_space<vmem>> -> memref<1x125xi32, #tpu.memory_space<vmem>>
        %dma_wait3A_21 = tpu.memref_squeeze %dma_wait3A_20 : memref<1x125xi32, #tpu.memory_space<vmem>> -> memref<125xi32, #tpu.memory_space<vmem>>
        %dma_wait3A_22 = arith.constant 0 : i32
        %dma_wait3A_23 = tpu.memref_slice %arg8[%dma_wait3A_22] : memref<10240xf32, #tpu.memory_space<vmem_shared>> -> memref<10240xf32, #tpu.memory_space<vmem_shared>>
        tpu.wait_indirect_dma semaphore(%run_scoped3A : memref<!tpu.dma_semaphore, #tpu.memory_space<semaphore_mem>>) src(%arg7 : memref<125xf32, #tpu.memory_space<vmem>>) dst(%dma_wait3A_23 : memref<10240xf32, #tpu.memory_space<vmem_shared>>)
        tpu.yield
      }) : () -> ()
    }
    %scan3A_9 = arith.constant 80 : i32
    %barrier3A_10 = arith.constant 0 : index
    tpu.barrier barrier_id(%barrier3A_10)
    %mul3A_11 = arith.constant 640 : i32
    %mul3A_12 = arith.muli %arg1, %mul3A_11 : i32
    %mul3A_13 = arith.constant 640 : i32
    %mul3A_14 = arith.muli %arg1, %mul3A_13 : i32
    "tpu.region"() ({
      %run_scoped3A = tpu.sem_alloc : memref<!tpu.dma_semaphore, #tpu.memory_space<semaphore_mem>>
      %dma_start3A = tpu.memref_slice %arg5[%arg0, %mul3A_14] : memref<2x10240xf32, #tpu.memory_space<hbm>> -> memref<1x640xf32, #tpu.memory_space<hbm>>
      %dma_start3A_15 = tpu.memref_squeeze %dma_start3A : memref<1x640xf32, #tpu.memory_space<hbm>> -> memref<640xf32, #tpu.memory_space<hbm>>
      %dma_start3A_16 = tpu.memref_slice %arg8[%mul3A_12] : memref<10240xf32, #tpu.memory_space<vmem_shared>> -> memref<640xf32, #tpu.memory_space<vmem_shared>>
      tpu.enqueue_dma source(%dma_start3A_16 : memref<640xf32, #tpu.memory_space<vmem_shared>>) target(%dma_start3A_15 : memref<640xf32, #tpu.memory_space<hbm>>) target_semaphore(%run_scoped3A : memref<!tpu.dma_semaphore, #tpu.memory_space<semaphore_mem>>)
      %dma_wait3A = tpu.memref_slice %arg5[%arg0, %mul3A_14] : memref<2x10240xf32, #tpu.memory_space<hbm>> -> memref<1x640xf32, #tpu.memory_space<hbm>>
      %dma_wait3A_17 = tpu.memref_squeeze %dma_wait3A : memref<1x640xf32, #tpu.memory_space<hbm>> -> memref<640xf32, #tpu.memory_space<hbm>>
      %dma_wait3A_18 = tpu.memref_slice %arg8[%mul3A_12] : memref<10240xf32, #tpu.memory_space<vmem_shared>> -> memref<640xf32, #tpu.memory_space<vmem_shared>>
      tpu.wait_dma2 semaphore(%run_scoped3A : memref<!tpu.dma_semaphore, #tpu.memory_space<semaphore_mem>>) src(%dma_wait3A_18 : memref<640xf32, #tpu.memory_space<vmem_shared>>) dst(%dma_wait3A_17 : memref<640xf32, #tpu.memory_space<hbm>>)
      tpu.yield
    }) : () -> ()
    return
  }
}

#map = affine_map<(d0, d1) -> (0, 0)>
#map1 = affine_map<(d0, d1) -> (0, 0, 0)>
module attributes {stable_mosaic.version = 14 : i64} {
  func.func @k(%arg0: i32, %arg1: i32, %arg2: memref<10000x128xf32, #tpu.memory_space<hbm>>, %arg3: memref<32x80x125xi32, #tpu.memory_space<hbm>>, %arg4: memref<32x80x125xi32, #tpu.memory_space<hbm>>, %arg5: memref<10240x128xf32, #tpu.memory_space<hbm>>, %arg6: memref<2x10240x128xf32, #tpu.memory_space<hbm>>, %arg7: memref<40x125xi32, #tpu.memory_space<vmem>>, %arg8: memref<40x125xi32, #tpu.memory_space<vmem>>, %arg9: memref<125x128xf32, #tpu.memory_space<vmem>>, %arg10: memref<125x128xf32, #tpu.memory_space<vmem>>, %arg11: memref<10240x128xf32, #tpu.memory_space<vmem_shared>>, %arg12: memref<!tpu.dma_semaphore, #tpu.memory_space<semaphore_mem>>, %arg13: memref<!tpu.dma_semaphore, #tpu.memory_space<semaphore_mem>>) attributes {dimension_semantics = [#tpu.dimension_semantics<core_parallel>, #tpu.dimension_semantics<subcore_parallel>], iteration_bounds = array<i64: 2, 16>, scalar_prefetch = 0 : i64, scratch_operands = 7 : i64, tpu.core_type = #tpu.core_type<sc_vector_subcore>, window_params = [{transform_indices = #map}, {transform_indices = #map1}, {transform_indices = #map1}, {transform_indices = #map}, {transform_indices = #map1}]} {
    %mul3A = arith.constant 2 : i32
    %mul3A_0 = arith.muli %arg1, %mul3A : i32
    %add3A = arith.addi %mul3A_0, %arg0 : i32
    %mul3A_1 = arith.constant 640 : i32
    %mul3A_2 = arith.muli %arg1, %mul3A_1 : i32
    %mul3A_3 = arith.constant 640 : i32
    %mul3A_4 = arith.muli %arg1, %mul3A_3 : i32
    "tpu.region"() ({
      %run_scoped3A = tpu.sem_alloc : memref<!tpu.dma_semaphore, #tpu.memory_space<semaphore_mem>>
      %dma_start3A = arith.constant 0 : i32
      %dma_start3A_15 = tpu.memref_slice %arg11[%mul3A_4, %dma_start3A] : memref<10240x128xf32, #tpu.memory_space<vmem_shared>> -> memref<640x128xf32, #tpu.memory_space<vmem_shared>>
      %dma_start3A_16 = arith.constant 0 : i32
      %dma_start3A_17 = tpu.memref_slice %arg5[%mul3A_2, %dma_start3A_16] : memref<10240x128xf32, #tpu.memory_space<hbm>> -> memref<640x128xf32, #tpu.memory_space<hbm>>
      tpu.enqueue_dma source(%dma_start3A_17 : memref<640x128xf32, #tpu.memory_space<hbm>>) target(%dma_start3A_15 : memref<640x128xf32, #tpu.memory_space<vmem_shared>>) target_semaphore(%run_scoped3A : memref<!tpu.dma_semaphore, #tpu.memory_space<semaphore_mem>>)
      %dma_wait3A = arith.constant 0 : i32
      %dma_wait3A_18 = tpu.memref_slice %arg11[%mul3A_4, %dma_wait3A] : memref<10240x128xf32, #tpu.memory_space<vmem_shared>> -> memref<640x128xf32, #tpu.memory_space<vmem_shared>>
      %dma_wait3A_19 = arith.constant 0 : i32
      %dma_wait3A_20 = tpu.memref_slice %arg5[%mul3A_2, %dma_wait3A_19] : memref<10240x128xf32, #tpu.memory_space<hbm>> -> memref<640x128xf32, #tpu.memory_space<hbm>>
      tpu.wait_dma2 semaphore(%run_scoped3A : memref<!tpu.dma_semaphore, #tpu.memory_space<semaphore_mem>>) src(%dma_wait3A_20 : memref<640x128xf32, #tpu.memory_space<hbm>>) dst(%dma_wait3A_18 : memref<640x128xf32, #tpu.memory_space<vmem_shared>>)
      tpu.yield
    }) : () -> ()
    %barrier3A = arith.constant 0 : index
    tpu.barrier barrier_id(%barrier3A)
    %scan3A = arith.constant 0 : i32
    %scan3A_5 = arith.constant 0 : i32
    %scan3A_6 = arith.constant 2 : i32
    %scan3A_7 = arith.addi %scan3A_5, %scan3A_6 : i32
    %scan3A_8 = arith.constant 1 : i32
    scf.for %scan3A_15 = %scan3A_5 to %scan3A_7 step %scan3A_8  : i32 {
      %mul3A_16 = arith.constant 40 : i32
      %mul3A_17 = arith.muli %scan3A_15, %mul3A_16 : i32
      "tpu.region"() ({
        %run_scoped3A = tpu.sem_alloc : memref<!tpu.dma_semaphore, #tpu.memory_space<semaphore_mem>>
        %dma_start3A_32 = arith.constant 0 : i32
        %dma_start3A_33 = tpu.memref_slice %arg3[%add3A, %mul3A_17, %dma_start3A_32] : memref<32x80x125xi32, #tpu.memory_space<hbm>> -> memref<1x40x125xi32, #tpu.memory_space<hbm>>
        %dma_start3A_34 = tpu.memref_squeeze %dma_start3A_33 : memref<1x40x125xi32, #tpu.memory_space<hbm>> -> memref<40x125xi32, #tpu.memory_space<hbm>>
        %dma_start3A_35 = arith.constant 0 : i32
        %dma_start3A_36 = tpu.memref_slice %arg3[%add3A, %mul3A_17, %dma_start3A_35] : memref<32x80x125xi32, #tpu.memory_space<hbm>> -> memref<1x40x125xi32, #tpu.memory_space<hbm>>
        %dma_start3A_37 = tpu.memref_squeeze %dma_start3A_36 : memref<1x40x125xi32, #tpu.memory_space<hbm>> -> memref<40x125xi32, #tpu.memory_space<hbm>>
        tpu.enqueue_dma source(%dma_start3A_37 : memref<40x125xi32, #tpu.memory_space<hbm>>) target(%arg7 : memref<40x125xi32, #tpu.memory_space<vmem>>) target_semaphore(%run_scoped3A : memref<!tpu.dma_semaphore, #tpu.memory_space<semaphore_mem>>)
        %dma_wait3A = arith.constant 0 : i32
        %dma_wait3A_38 = tpu.memref_slice %arg3[%add3A, %mul3A_17, %dma_wait3A] : memref<32x80x125xi32, #tpu.memory_space<hbm>> -> memref<1x40x125xi32, #tpu.memory_space<hbm>>
        %dma_wait3A_39 = tpu.memref_squeeze %dma_wait3A_38 : memref<1x40x125xi32, #tpu.memory_space<hbm>> -> memref<40x125xi32, #tpu.memory_space<hbm>>
        %dma_wait3A_40 = arith.constant 0 : i32
        %dma_wait3A_41 = tpu.memref_slice %arg3[%add3A, %mul3A_17, %dma_wait3A_40] : memref<32x80x125xi32, #tpu.memory_space<hbm>> -> memref<1x40x125xi32, #tpu.memory_space<hbm>>
        %dma_wait3A_42 = tpu.memref_squeeze %dma_wait3A_41 : memref<1x40x125xi32, #tpu.memory_space<hbm>> -> memref<40x125xi32, #tpu.memory_space<hbm>>
        tpu.wait_dma2 semaphore(%run_scoped3A : memref<!tpu.dma_semaphore, #tpu.memory_space<semaphore_mem>>) src(%dma_wait3A_42 : memref<40x125xi32, #tpu.memory_space<hbm>>) dst(%arg7 : memref<40x125xi32, #tpu.memory_space<vmem>>)
        tpu.yield
      }) : () -> ()
      %mul3A_18 = arith.constant 40 : i32
      %mul3A_19 = arith.muli %scan3A_15, %mul3A_18 : i32
      "tpu.region"() ({
        %run_scoped3A = tpu.sem_alloc : memref<!tpu.dma_semaphore, #tpu.memory_space<semaphore_mem>>
        %dma_start3A_32 = arith.constant 0 : i32
        %dma_start3A_33 = tpu.memref_slice %arg4[%add3A, %mul3A_19, %dma_start3A_32] : memref<32x80x125xi32, #tpu.memory_space<hbm>> -> memref<1x40x125xi32, #tpu.memory_space<hbm>>
        %dma_start3A_34 = tpu.memref_squeeze %dma_start3A_33 : memref<1x40x125xi32, #tpu.memory_space<hbm>> -> memref<40x125xi32, #tpu.memory_space<hbm>>
        %dma_start3A_35 = arith.constant 0 : i32
        %dma_start3A_36 = tpu.memref_slice %arg4[%add3A, %mul3A_19, %dma_start3A_35] : memref<32x80x125xi32, #tpu.memory_space<hbm>> -> memref<1x40x125xi32, #tpu.memory_space<hbm>>
        %dma_start3A_37 = tpu.memref_squeeze %dma_start3A_36 : memref<1x40x125xi32, #tpu.memory_space<hbm>> -> memref<40x125xi32, #tpu.memory_space<hbm>>
        tpu.enqueue_dma source(%dma_start3A_37 : memref<40x125xi32, #tpu.memory_space<hbm>>) target(%arg8 : memref<40x125xi32, #tpu.memory_space<vmem>>) target_semaphore(%run_scoped3A : memref<!tpu.dma_semaphore, #tpu.memory_space<semaphore_mem>>)
        %dma_wait3A = arith.constant 0 : i32
        %dma_wait3A_38 = tpu.memref_slice %arg4[%add3A, %mul3A_19, %dma_wait3A] : memref<32x80x125xi32, #tpu.memory_space<hbm>> -> memref<1x40x125xi32, #tpu.memory_space<hbm>>
        %dma_wait3A_39 = tpu.memref_squeeze %dma_wait3A_38 : memref<1x40x125xi32, #tpu.memory_space<hbm>> -> memref<40x125xi32, #tpu.memory_space<hbm>>
        %dma_wait3A_40 = arith.constant 0 : i32
        %dma_wait3A_41 = tpu.memref_slice %arg4[%add3A, %mul3A_19, %dma_wait3A_40] : memref<32x80x125xi32, #tpu.memory_space<hbm>> -> memref<1x40x125xi32, #tpu.memory_space<hbm>>
        %dma_wait3A_42 = tpu.memref_squeeze %dma_wait3A_41 : memref<1x40x125xi32, #tpu.memory_space<hbm>> -> memref<40x125xi32, #tpu.memory_space<hbm>>
        tpu.wait_dma2 semaphore(%run_scoped3A : memref<!tpu.dma_semaphore, #tpu.memory_space<semaphore_mem>>) src(%dma_wait3A_42 : memref<40x125xi32, #tpu.memory_space<hbm>>) dst(%arg8 : memref<40x125xi32, #tpu.memory_space<vmem>>)
        tpu.yield
      }) : () -> ()
      %dma_start3A = arith.constant 0 : i32
      %dma_start3A_20 = arith.constant 0 : i32
      %dma_start3A_21 = tpu.memref_slice %arg7[%dma_start3A, %dma_start3A_20] : memref<40x125xi32, #tpu.memory_space<vmem>> -> memref<1x125xi32, #tpu.memory_space<vmem>>
      %dma_start3A_22 = tpu.memref_squeeze %dma_start3A_21 : memref<1x125xi32, #tpu.memory_space<vmem>> -> memref<125xi32, #tpu.memory_space<vmem>>
      %dma_start3A_23 = arith.constant 0 : i32
      %dma_start3A_24 = arith.constant 0 : i32
      %dma_start3A_25 = tpu.memref_slice %arg2[%dma_start3A_23, %dma_start3A_24] : memref<10000x128xf32, #tpu.memory_space<hbm>> -> memref<10000x128xf32, #tpu.memory_space<hbm>>
      tpu.enqueue_indirect_dma source(%dma_start3A_25 : memref<10000x128xf32, #tpu.memory_space<hbm>>) target(%arg9 : memref<125x128xf32, #tpu.memory_space<vmem>>) offsets(%dma_start3A_22 : memref<125xi32, #tpu.memory_space<vmem>>) semaphore(%arg12 : memref<!tpu.dma_semaphore, #tpu.memory_space<semaphore_mem>>)
      %scan3A_26 = arith.constant 0 : i32
      %scan3A_27 = arith.constant 0 : i32
      %scan3A_28 = arith.constant 20 : i32
      %scan3A_29 = arith.addi %scan3A_27, %scan3A_28 : i32
      %scan3A_30 = arith.constant 1 : i32
      scf.for %scan3A_32 = %scan3A_27 to %scan3A_29 step %scan3A_30  : i32 {
        %mul3A_33 = arith.constant 2 : i32
        %mul3A_34 = arith.muli %mul3A_33, %scan3A_32 : i32
        %dma_wait3A = arith.constant 0 : i32
        %dma_wait3A_35 = tpu.memref_slice %arg7[%mul3A_34, %dma_wait3A] : memref<40x125xi32, #tpu.memory_space<vmem>> -> memref<1x125xi32, #tpu.memory_space<vmem>>
        %dma_wait3A_36 = tpu.memref_squeeze %dma_wait3A_35 : memref<1x125xi32, #tpu.memory_space<vmem>> -> memref<125xi32, #tpu.memory_space<vmem>>
        %dma_wait3A_37 = arith.constant 0 : i32
        %dma_wait3A_38 = arith.constant 0 : i32
        %dma_wait3A_39 = tpu.memref_slice %arg2[%dma_wait3A_37, %dma_wait3A_38] : memref<10000x128xf32, #tpu.memory_space<hbm>> -> memref<10000x128xf32, #tpu.memory_space<hbm>>
        tpu.wait_indirect_dma semaphore(%arg12 : memref<!tpu.dma_semaphore, #tpu.memory_space<semaphore_mem>>) src(%dma_wait3A_39 : memref<10000x128xf32, #tpu.memory_space<hbm>>) dst(%arg9 : memref<125x128xf32, #tpu.memory_space<vmem>>)
        %add3A_40 = arith.constant 1 : i32
        %add3A_41 = arith.addi %mul3A_34, %add3A_40 : i32
        %dma_start3A_42 = arith.constant 0 : i32
        %dma_start3A_43 = tpu.memref_slice %arg7[%add3A_41, %dma_start3A_42] : memref<40x125xi32, #tpu.memory_space<vmem>> -> memref<1x125xi32, #tpu.memory_space<vmem>>
        %dma_start3A_44 = tpu.memref_squeeze %dma_start3A_43 : memref<1x125xi32, #tpu.memory_space<vmem>> -> memref<125xi32, #tpu.memory_space<vmem>>
        %dma_start3A_45 = arith.constant 0 : i32
        %dma_start3A_46 = arith.constant 0 : i32
        %dma_start3A_47 = tpu.memref_slice %arg2[%dma_start3A_45, %dma_start3A_46] : memref<10000x128xf32, #tpu.memory_space<hbm>> -> memref<10000x128xf32, #tpu.memory_space<hbm>>
        tpu.enqueue_indirect_dma source(%dma_start3A_47 : memref<10000x128xf32, #tpu.memory_space<hbm>>) target(%arg10 : memref<125x128xf32, #tpu.memory_space<vmem>>) offsets(%dma_start3A_44 : memref<125xi32, #tpu.memory_space<vmem>>) semaphore(%arg13 : memref<!tpu.dma_semaphore, #tpu.memory_space<semaphore_mem>>)
        "tpu.region"() ({
          %run_scoped3A = tpu.sem_alloc : memref<!tpu.dma_semaphore, #tpu.memory_space<semaphore_mem>>
          %dma_start3A_62 = arith.constant 0 : i32
          %dma_start3A_63 = tpu.memref_slice %arg8[%mul3A_34, %dma_start3A_62] : memref<40x125xi32, #tpu.memory_space<vmem>> -> memref<1x125xi32, #tpu.memory_space<vmem>>
          %dma_start3A_64 = tpu.memref_squeeze %dma_start3A_63 : memref<1x125xi32, #tpu.memory_space<vmem>> -> memref<125xi32, #tpu.memory_space<vmem>>
          %dma_start3A_65 = arith.constant 0 : i32
          %dma_start3A_66 = arith.constant 0 : i32
          %dma_start3A_67 = tpu.memref_slice %arg11[%dma_start3A_65, %dma_start3A_66] : memref<10240x128xf32, #tpu.memory_space<vmem_shared>> -> memref<10240x128xf32, #tpu.memory_space<vmem_shared>>
          tpu.enqueue_indirect_dma source(%arg9 : memref<125x128xf32, #tpu.memory_space<vmem>>) target(%dma_start3A_67 : memref<10240x128xf32, #tpu.memory_space<vmem_shared>>) offsets(%dma_start3A_64 : memref<125xi32, #tpu.memory_space<vmem>>) semaphore(%run_scoped3A : memref<!tpu.dma_semaphore, #tpu.memory_space<semaphore_mem>>) {add = true}
          %dma_wait3A_68 = arith.constant 0 : i32
          %dma_wait3A_69 = tpu.memref_slice %arg8[%mul3A_34, %dma_wait3A_68] : memref<40x125xi32, #tpu.memory_space<vmem>> -> memref<1x125xi32, #tpu.memory_space<vmem>>
          %dma_wait3A_70 = tpu.memref_squeeze %dma_wait3A_69 : memref<1x125xi32, #tpu.memory_space<vmem>> -> memref<125xi32, #tpu.memory_space<vmem>>
          %dma_wait3A_71 = arith.constant 0 : i32
          %dma_wait3A_72 = arith.constant 0 : i32
          %dma_wait3A_73 = tpu.memref_slice %arg11[%dma_wait3A_71, %dma_wait3A_72] : memref<10240x128xf32, #tpu.memory_space<vmem_shared>> -> memref<10240x128xf32, #tpu.memory_space<vmem_shared>>
          tpu.wait_indirect_dma semaphore(%run_scoped3A : memref<!tpu.dma_semaphore, #tpu.memory_space<semaphore_mem>>) src(%arg9 : memref<125x128xf32, #tpu.memory_space<vmem>>) dst(%dma_wait3A_73 : memref<10240x128xf32, #tpu.memory_space<vmem_shared>>)
          tpu.yield
        }) : () -> ()
        %add3A_48 = arith.constant 1 : i32
        %add3A_49 = arith.addi %mul3A_34, %add3A_48 : i32
        %dma_wait3A_50 = arith.constant 0 : i32
        %dma_wait3A_51 = tpu.memref_slice %arg7[%add3A_49, %dma_wait3A_50] : memref<40x125xi32, #tpu.memory_space<vmem>> -> memref<1x125xi32, #tpu.memory_space<vmem>>
        %dma_wait3A_52 = tpu.memref_squeeze %dma_wait3A_51 : memref<1x125xi32, #tpu.memory_space<vmem>> -> memref<125xi32, #tpu.memory_space<vmem>>
        %dma_wait3A_53 = arith.constant 0 : i32
        %dma_wait3A_54 = arith.constant 0 : i32
        %dma_wait3A_55 = tpu.memref_slice %arg2[%dma_wait3A_53, %dma_wait3A_54] : memref<10000x128xf32, #tpu.memory_space<hbm>> -> memref<10000x128xf32, #tpu.memory_space<hbm>>
        tpu.wait_indirect_dma semaphore(%arg13 : memref<!tpu.dma_semaphore, #tpu.memory_space<semaphore_mem>>) src(%dma_wait3A_55 : memref<10000x128xf32, #tpu.memory_space<hbm>>) dst(%arg10 : memref<125x128xf32, #tpu.memory_space<vmem>>)
        %add3A_56 = arith.constant 2 : i32
        %add3A_57 = arith.addi %mul3A_34, %add3A_56 : i32
        %lt3A = arith.constant 40 : i32
        %lt3A_58 = arith.cmpi slt, %add3A_57, %lt3A : i32
        %convert_element_type3A = arith.extui %lt3A_58 : i1 to i32
        %cond3A = arith.constant 0 : i32
        %cond3A_59 = arith.cmpi ne, %convert_element_type3A, %cond3A : i32
        scf.if %cond3A_59 {
          %add3A_62 = arith.constant 2 : i32
          %add3A_63 = arith.addi %mul3A_34, %add3A_62 : i32
          %dma_start3A_64 = arith.constant 0 : i32
          %dma_start3A_65 = tpu.memref_slice %arg7[%add3A_63, %dma_start3A_64] : memref<40x125xi32, #tpu.memory_space<vmem>> -> memref<1x125xi32, #tpu.memory_space<vmem>>
          %dma_start3A_66 = tpu.memref_squeeze %dma_start3A_65 : memref<1x125xi32, #tpu.memory_space<vmem>> -> memref<125xi32, #tpu.memory_space<vmem>>
          %dma_start3A_67 = arith.constant 0 : i32
          %dma_start3A_68 = arith.constant 0 : i32
          %dma_start3A_69 = tpu.memref_slice %arg2[%dma_start3A_67, %dma_start3A_68] : memref<10000x128xf32, #tpu.memory_space<hbm>> -> memref<10000x128xf32, #tpu.memory_space<hbm>>
          tpu.enqueue_indirect_dma source(%dma_start3A_69 : memref<10000x128xf32, #tpu.memory_space<hbm>>) target(%arg9 : memref<125x128xf32, #tpu.memory_space<vmem>>) offsets(%dma_start3A_66 : memref<125xi32, #tpu.memory_space<vmem>>) semaphore(%arg12 : memref<!tpu.dma_semaphore, #tpu.memory_space<semaphore_mem>>)
        } else {
        }
        %add3A_60 = arith.constant 1 : i32
        %add3A_61 = arith.addi %mul3A_34, %add3A_60 : i32
        "tpu.region"() ({
          %run_scoped3A = tpu.sem_alloc : memref<!tpu.dma_semaphore, #tpu.memory_space<semaphore_mem>>
          %dma_start3A_62 = arith.constant 0 : i32
          %dma_start3A_63 = tpu.memref_slice %arg8[%add3A_61, %dma_start3A_62] : memref<40x125xi32, #tpu.memory_space<vmem>> -> memref<1x125xi32, #tpu.memory_space<vmem>>
          %dma_start3A_64 = tpu.memref_squeeze %dma_start3A_63 : memref<1x125xi32, #tpu.memory_space<vmem>> -> memref<125xi32, #tpu.memory_space<vmem>>
          %dma_start3A_65 = arith.constant 0 : i32
          %dma_start3A_66 = arith.constant 0 : i32
          %dma_start3A_67 = tpu.memref_slice %arg11[%dma_start3A_65, %dma_start3A_66] : memref<10240x128xf32, #tpu.memory_space<vmem_shared>> -> memref<10240x128xf32, #tpu.memory_space<vmem_shared>>
          tpu.enqueue_indirect_dma source(%arg10 : memref<125x128xf32, #tpu.memory_space<vmem>>) target(%dma_start3A_67 : memref<10240x128xf32, #tpu.memory_space<vmem_shared>>) offsets(%dma_start3A_64 : memref<125xi32, #tpu.memory_space<vmem>>) semaphore(%run_scoped3A : memref<!tpu.dma_semaphore, #tpu.memory_space<semaphore_mem>>) {add = true}
          %dma_wait3A_68 = arith.constant 0 : i32
          %dma_wait3A_69 = tpu.memref_slice %arg8[%add3A_61, %dma_wait3A_68] : memref<40x125xi32, #tpu.memory_space<vmem>> -> memref<1x125xi32, #tpu.memory_space<vmem>>
          %dma_wait3A_70 = tpu.memref_squeeze %dma_wait3A_69 : memref<1x125xi32, #tpu.memory_space<vmem>> -> memref<125xi32, #tpu.memory_space<vmem>>
          %dma_wait3A_71 = arith.constant 0 : i32
          %dma_wait3A_72 = arith.constant 0 : i32
          %dma_wait3A_73 = tpu.memref_slice %arg11[%dma_wait3A_71, %dma_wait3A_72] : memref<10240x128xf32, #tpu.memory_space<vmem_shared>> -> memref<10240x128xf32, #tpu.memory_space<vmem_shared>>
          tpu.wait_indirect_dma semaphore(%run_scoped3A : memref<!tpu.dma_semaphore, #tpu.memory_space<semaphore_mem>>) src(%arg10 : memref<125x128xf32, #tpu.memory_space<vmem>>) dst(%dma_wait3A_73 : memref<10240x128xf32, #tpu.memory_space<vmem_shared>>)
          tpu.yield
        }) : () -> ()
      }
      %scan3A_31 = arith.constant 20 : i32
    }
    %scan3A_9 = arith.constant 2 : i32
    %barrier3A_10 = arith.constant 0 : index
    tpu.barrier barrier_id(%barrier3A_10)
    %mul3A_11 = arith.constant 640 : i32
    %mul3A_12 = arith.muli %arg1, %mul3A_11 : i32
    %mul3A_13 = arith.constant 640 : i32
    %mul3A_14 = arith.muli %arg1, %mul3A_13 : i32
    "tpu.region"() ({
      %run_scoped3A = tpu.sem_alloc : memref<!tpu.dma_semaphore, #tpu.memory_space<semaphore_mem>>
      %dma_start3A = arith.constant 0 : i32
      %dma_start3A_15 = tpu.memref_slice %arg6[%arg0, %mul3A_14, %dma_start3A] : memref<2x10240x128xf32, #tpu.memory_space<hbm>> -> memref<1x640x128xf32, #tpu.memory_space<hbm>>
      %dma_start3A_16 = tpu.memref_squeeze %dma_start3A_15 : memref<1x640x128xf32, #tpu.memory_space<hbm>> -> memref<640x128xf32, #tpu.memory_space<hbm>>
      %dma_start3A_17 = arith.constant 0 : i32
      %dma_start3A_18 = tpu.memref_slice %arg11[%mul3A_12, %dma_start3A_17] : memref<10240x128xf32, #tpu.memory_space<vmem_shared>> -> memref<640x128xf32, #tpu.memory_space<vmem_shared>>
      tpu.enqueue_dma source(%dma_start3A_18 : memref<640x128xf32, #tpu.memory_space<vmem_shared>>) target(%dma_start3A_16 : memref<640x128xf32, #tpu.memory_space<hbm>>) target_semaphore(%run_scoped3A : memref<!tpu.dma_semaphore, #tpu.memory_space<semaphore_mem>>)
      %dma_wait3A = arith.constant 0 : i32
      %dma_wait3A_19 = tpu.memref_slice %arg6[%arg0, %mul3A_14, %dma_wait3A] : memref<2x10240x128xf32, #tpu.memory_space<hbm>> -> memref<1x640x128xf32, #tpu.memory_space<hbm>>
      %dma_wait3A_20 = tpu.memref_squeeze %dma_wait3A_19 : memref<1x640x128xf32, #tpu.memory_space<hbm>> -> memref<640x128xf32, #tpu.memory_space<hbm>>
      %dma_wait3A_21 = arith.constant 0 : i32
      %dma_wait3A_22 = tpu.memref_slice %arg11[%mul3A_12, %dma_wait3A_21] : memref<10240x128xf32, #tpu.memory_space<vmem_shared>> -> memref<640x128xf32, #tpu.memory_space<vmem_shared>>
      tpu.wait_dma2 semaphore(%run_scoped3A : memref<!tpu.dma_semaphore, #tpu.memory_space<semaphore_mem>>) src(%dma_wait3A_22 : memref<640x128xf32, #tpu.memory_space<vmem_shared>>) dst(%dma_wait3A_20 : memref<640x128xf32, #tpu.memory_space<hbm>>)
      tpu.yield
    }) : () -> ()
    return
  }
}

#map = affine_map<(d0, d1) -> (0, 0)>
#map1 = affine_map<(d0, d1) -> (0, 0, 0)>
module attributes {stable_mosaic.version = 14 : i64} {
  func.func @k(%arg0: i32, %arg1: i32, %arg2: memref<10000x128xf32, #tpu.memory_space<hbm>>, %arg3: memref<32x80x125xi32, #tpu.memory_space<hbm>>, %arg4: memref<32x80x125xi32, #tpu.memory_space<hbm>>, %arg5: memref<10240x128xf32, #tpu.memory_space<hbm>>, %arg6: memref<2x10240x128xf32, #tpu.memory_space<hbm>>, %arg7: memref<40x125xi32, #tpu.memory_space<vmem>>, %arg8: memref<40x125xi32, #tpu.memory_space<vmem>>, %arg9: memref<125x128xf32, #tpu.memory_space<vmem>>, %arg10: memref<125x128xf32, #tpu.memory_space<vmem>>, %arg11: memref<10240x128xf32, #tpu.memory_space<vmem_shared>>, %arg12: memref<!tpu.dma_semaphore, #tpu.memory_space<semaphore_mem>>, %arg13: memref<!tpu.dma_semaphore, #tpu.memory_space<semaphore_mem>>) attributes {dimension_semantics = [#tpu.dimension_semantics<core_parallel>, #tpu.dimension_semantics<subcore_parallel>], iteration_bounds = array<i64: 2, 16>, scalar_prefetch = 0 : i64, scratch_operands = 7 : i64, tpu.core_type = #tpu.core_type<sc_vector_subcore>, window_params = [{transform_indices = #map}, {transform_indices = #map1}, {transform_indices = #map1}, {transform_indices = #map}, {transform_indices = #map1}]} {
    %mul3A = arith.constant 2 : i32
    %mul3A_0 = arith.muli %arg1, %mul3A : i32
    %add3A = arith.addi %mul3A_0, %arg0 : i32
    %mul3A_1 = arith.constant 640 : i32
    %mul3A_2 = arith.muli %arg1, %mul3A_1 : i32
    %mul3A_3 = arith.constant 640 : i32
    %mul3A_4 = arith.muli %arg1, %mul3A_3 : i32
    "tpu.region"() ({
      %run_scoped3A = tpu.sem_alloc : memref<!tpu.dma_semaphore, #tpu.memory_space<semaphore_mem>>
      %dma_start3A = arith.constant 0 : i32
      %dma_start3A_15 = tpu.memref_slice %arg11[%mul3A_4, %dma_start3A] : memref<10240x128xf32, #tpu.memory_space<vmem_shared>> -> memref<640x128xf32, #tpu.memory_space<vmem_shared>>
      %dma_start3A_16 = arith.constant 0 : i32
      %dma_start3A_17 = tpu.memref_slice %arg5[%mul3A_2, %dma_start3A_16] : memref<10240x128xf32, #tpu.memory_space<hbm>> -> memref<640x128xf32, #tpu.memory_space<hbm>>
      tpu.enqueue_dma source(%dma_start3A_17 : memref<640x128xf32, #tpu.memory_space<hbm>>) target(%dma_start3A_15 : memref<640x128xf32, #tpu.memory_space<vmem_shared>>) target_semaphore(%run_scoped3A : memref<!tpu.dma_semaphore, #tpu.memory_space<semaphore_mem>>)
      %dma_wait3A = arith.constant 0 : i32
      %dma_wait3A_18 = tpu.memref_slice %arg11[%mul3A_4, %dma_wait3A] : memref<10240x128xf32, #tpu.memory_space<vmem_shared>> -> memref<640x128xf32, #tpu.memory_space<vmem_shared>>
      %dma_wait3A_19 = arith.constant 0 : i32
      %dma_wait3A_20 = tpu.memref_slice %arg5[%mul3A_2, %dma_wait3A_19] : memref<10240x128xf32, #tpu.memory_space<hbm>> -> memref<640x128xf32, #tpu.memory_space<hbm>>
      tpu.wait_dma2 semaphore(%run_scoped3A : memref<!tpu.dma_semaphore, #tpu.memory_space<semaphore_mem>>) src(%dma_wait3A_20 : memref<640x128xf32, #tpu.memory_space<hbm>>) dst(%dma_wait3A_18 : memref<640x128xf32, #tpu.memory_space<vmem_shared>>)
      tpu.yield
    }) : () -> ()
    %barrier3A = arith.constant 0 : index
    tpu.barrier barrier_id(%barrier3A)
    %scan3A = arith.constant 0 : i32
    %scan3A_5 = arith.constant 0 : i32
    %scan3A_6 = arith.constant 2 : i32
    %scan3A_7 = arith.addi %scan3A_5, %scan3A_6 : i32
    %scan3A_8 = arith.constant 1 : i32
    scf.for %scan3A_15 = %scan3A_5 to %scan3A_7 step %scan3A_8  : i32 {
      %mul3A_16 = arith.constant 40 : i32
      %mul3A_17 = arith.muli %scan3A_15, %mul3A_16 : i32
      "tpu.region"() ({
        %run_scoped3A = tpu.sem_alloc : memref<!tpu.dma_semaphore, #tpu.memory_space<semaphore_mem>>
        %dma_start3A_32 = arith.constant 0 : i32
        %dma_start3A_33 = tpu.memref_slice %arg3[%add3A, %mul3A_17, %dma_start3A_32] : memref<32x80x125xi32, #tpu.memory_space<hbm>> -> memref<1x40x125xi32, #tpu.memory_space<hbm>>
        %dma_start3A_34 = tpu.memref_squeeze %dma_start3A_33 : memref<1x40x125xi32, #tpu.memory_space<hbm>> -> memref<40x125xi32, #tpu.memory_space<hbm>>
        %dma_start3A_35 = arith.constant 0 : i32
        %dma_start3A_36 = tpu.memref_slice %arg3[%add3A, %mul3A_17, %dma_start3A_35] : memref<32x80x125xi32, #tpu.memory_space<hbm>> -> memref<1x40x125xi32, #tpu.memory_space<hbm>>
        %dma_start3A_37 = tpu.memref_squeeze %dma_start3A_36 : memref<1x40x125xi32, #tpu.memory_space<hbm>> -> memref<40x125xi32, #tpu.memory_space<hbm>>
        tpu.enqueue_dma source(%dma_start3A_37 : memref<40x125xi32, #tpu.memory_space<hbm>>) target(%arg7 : memref<40x125xi32, #tpu.memory_space<vmem>>) target_semaphore(%run_scoped3A : memref<!tpu.dma_semaphore, #tpu.memory_space<semaphore_mem>>)
        %dma_wait3A = arith.constant 0 : i32
        %dma_wait3A_38 = tpu.memref_slice %arg3[%add3A, %mul3A_17, %dma_wait3A] : memref<32x80x125xi32, #tpu.memory_space<hbm>> -> memref<1x40x125xi32, #tpu.memory_space<hbm>>
        %dma_wait3A_39 = tpu.memref_squeeze %dma_wait3A_38 : memref<1x40x125xi32, #tpu.memory_space<hbm>> -> memref<40x125xi32, #tpu.memory_space<hbm>>
        %dma_wait3A_40 = arith.constant 0 : i32
        %dma_wait3A_41 = tpu.memref_slice %arg3[%add3A, %mul3A_17, %dma_wait3A_40] : memref<32x80x125xi32, #tpu.memory_space<hbm>> -> memref<1x40x125xi32, #tpu.memory_space<hbm>>
        %dma_wait3A_42 = tpu.memref_squeeze %dma_wait3A_41 : memref<1x40x125xi32, #tpu.memory_space<hbm>> -> memref<40x125xi32, #tpu.memory_space<hbm>>
        tpu.wait_dma2 semaphore(%run_scoped3A : memref<!tpu.dma_semaphore, #tpu.memory_space<semaphore_mem>>) src(%dma_wait3A_42 : memref<40x125xi32, #tpu.memory_space<hbm>>) dst(%arg7 : memref<40x125xi32, #tpu.memory_space<vmem>>)
        tpu.yield
      }) : () -> ()
      %mul3A_18 = arith.constant 40 : i32
      %mul3A_19 = arith.muli %scan3A_15, %mul3A_18 : i32
      "tpu.region"() ({
        %run_scoped3A = tpu.sem_alloc : memref<!tpu.dma_semaphore, #tpu.memory_space<semaphore_mem>>
        %dma_start3A_32 = arith.constant 0 : i32
        %dma_start3A_33 = tpu.memref_slice %arg4[%add3A, %mul3A_19, %dma_start3A_32] : memref<32x80x125xi32, #tpu.memory_space<hbm>> -> memref<1x40x125xi32, #tpu.memory_space<hbm>>
        %dma_start3A_34 = tpu.memref_squeeze %dma_start3A_33 : memref<1x40x125xi32, #tpu.memory_space<hbm>> -> memref<40x125xi32, #tpu.memory_space<hbm>>
        %dma_start3A_35 = arith.constant 0 : i32
        %dma_start3A_36 = tpu.memref_slice %arg4[%add3A, %mul3A_19, %dma_start3A_35] : memref<32x80x125xi32, #tpu.memory_space<hbm>> -> memref<1x40x125xi32, #tpu.memory_space<hbm>>
        %dma_start3A_37 = tpu.memref_squeeze %dma_start3A_36 : memref<1x40x125xi32, #tpu.memory_space<hbm>> -> memref<40x125xi32, #tpu.memory_space<hbm>>
        tpu.enqueue_dma source(%dma_start3A_37 : memref<40x125xi32, #tpu.memory_space<hbm>>) target(%arg8 : memref<40x125xi32, #tpu.memory_space<vmem>>) target_semaphore(%run_scoped3A : memref<!tpu.dma_semaphore, #tpu.memory_space<semaphore_mem>>)
        %dma_wait3A = arith.constant 0 : i32
        %dma_wait3A_38 = tpu.memref_slice %arg4[%add3A, %mul3A_19, %dma_wait3A] : memref<32x80x125xi32, #tpu.memory_space<hbm>> -> memref<1x40x125xi32, #tpu.memory_space<hbm>>
        %dma_wait3A_39 = tpu.memref_squeeze %dma_wait3A_38 : memref<1x40x125xi32, #tpu.memory_space<hbm>> -> memref<40x125xi32, #tpu.memory_space<hbm>>
        %dma_wait3A_40 = arith.constant 0 : i32
        %dma_wait3A_41 = tpu.memref_slice %arg4[%add3A, %mul3A_19, %dma_wait3A_40] : memref<32x80x125xi32, #tpu.memory_space<hbm>> -> memref<1x40x125xi32, #tpu.memory_space<hbm>>
        %dma_wait3A_42 = tpu.memref_squeeze %dma_wait3A_41 : memref<1x40x125xi32, #tpu.memory_space<hbm>> -> memref<40x125xi32, #tpu.memory_space<hbm>>
        tpu.wait_dma2 semaphore(%run_scoped3A : memref<!tpu.dma_semaphore, #tpu.memory_space<semaphore_mem>>) src(%dma_wait3A_42 : memref<40x125xi32, #tpu.memory_space<hbm>>) dst(%arg8 : memref<40x125xi32, #tpu.memory_space<vmem>>)
        tpu.yield
      }) : () -> ()
      %dma_start3A = arith.constant 0 : i32
      %dma_start3A_20 = arith.constant 0 : i32
      %dma_start3A_21 = tpu.memref_slice %arg7[%dma_start3A, %dma_start3A_20] : memref<40x125xi32, #tpu.memory_space<vmem>> -> memref<1x125xi32, #tpu.memory_space<vmem>>
      %dma_start3A_22 = tpu.memref_squeeze %dma_start3A_21 : memref<1x125xi32, #tpu.memory_space<vmem>> -> memref<125xi32, #tpu.memory_space<vmem>>
      %dma_start3A_23 = arith.constant 0 : i32
      %dma_start3A_24 = arith.constant 0 : i32
      %dma_start3A_25 = tpu.memref_slice %arg2[%dma_start3A_23, %dma_start3A_24] : memref<10000x128xf32, #tpu.memory_space<hbm>> -> memref<10000x128xf32, #tpu.memory_space<hbm>>
      tpu.enqueue_indirect_dma source(%dma_start3A_25 : memref<10000x128xf32, #tpu.memory_space<hbm>>) target(%arg9 : memref<125x128xf32, #tpu.memory_space<vmem>>) offsets(%dma_start3A_22 : memref<125xi32, #tpu.memory_space<vmem>>) semaphore(%arg12 : memref<!tpu.dma_semaphore, #tpu.memory_space<semaphore_mem>>)
      %scan3A_26 = arith.constant 0 : i32
      %scan3A_27 = arith.constant 0 : i32
      %scan3A_28 = arith.constant 20 : i32
      %scan3A_29 = arith.addi %scan3A_27, %scan3A_28 : i32
      %scan3A_30 = arith.constant 1 : i32
      scf.for %scan3A_32 = %scan3A_27 to %scan3A_29 step %scan3A_30  : i32 {
        %mul3A_33 = arith.constant 2 : i32
        %mul3A_34 = arith.muli %mul3A_33, %scan3A_32 : i32
        %dma_wait3A = arith.constant 0 : i32
        %dma_wait3A_35 = tpu.memref_slice %arg7[%mul3A_34, %dma_wait3A] : memref<40x125xi32, #tpu.memory_space<vmem>> -> memref<1x125xi32, #tpu.memory_space<vmem>>
        %dma_wait3A_36 = tpu.memref_squeeze %dma_wait3A_35 : memref<1x125xi32, #tpu.memory_space<vmem>> -> memref<125xi32, #tpu.memory_space<vmem>>
        %dma_wait3A_37 = arith.constant 0 : i32
        %dma_wait3A_38 = arith.constant 0 : i32
        %dma_wait3A_39 = tpu.memref_slice %arg2[%dma_wait3A_37, %dma_wait3A_38] : memref<10000x128xf32, #tpu.memory_space<hbm>> -> memref<10000x128xf32, #tpu.memory_space<hbm>>
        tpu.wait_indirect_dma semaphore(%arg12 : memref<!tpu.dma_semaphore, #tpu.memory_space<semaphore_mem>>) src(%dma_wait3A_39 : memref<10000x128xf32, #tpu.memory_space<hbm>>) dst(%arg9 : memref<125x128xf32, #tpu.memory_space<vmem>>)
        %add3A_40 = arith.constant 1 : i32
        %add3A_41 = arith.addi %mul3A_34, %add3A_40 : i32
        %dma_start3A_42 = arith.constant 0 : i32
        %dma_start3A_43 = tpu.memref_slice %arg7[%add3A_41, %dma_start3A_42] : memref<40x125xi32, #tpu.memory_space<vmem>> -> memref<1x125xi32, #tpu.memory_space<vmem>>
        %dma_start3A_44 = tpu.memref_squeeze %dma_start3A_43 : memref<1x125xi32, #tpu.memory_space<vmem>> -> memref<125xi32, #tpu.memory_space<vmem>>
        %dma_start3A_45 = arith.constant 0 : i32
        %dma_start3A_46 = arith.constant 0 : i32
        %dma_start3A_47 = tpu.memref_slice %arg2[%dma_start3A_45, %dma_start3A_46] : memref<10000x128xf32, #tpu.memory_space<hbm>> -> memref<10000x128xf32, #tpu.memory_space<hbm>>
        tpu.enqueue_indirect_dma source(%dma_start3A_47 : memref<10000x128xf32, #tpu.memory_space<hbm>>) target(%arg10 : memref<125x128xf32, #tpu.memory_space<vmem>>) offsets(%dma_start3A_44 : memref<125xi32, #tpu.memory_space<vmem>>) semaphore(%arg13 : memref<!tpu.dma_semaphore, #tpu.memory_space<semaphore_mem>>)
        "tpu.region"() ({
          %run_scoped3A = tpu.sem_alloc : memref<!tpu.dma_semaphore, #tpu.memory_space<semaphore_mem>>
          %dma_start3A_62 = arith.constant 0 : i32
          %dma_start3A_63 = tpu.memref_slice %arg8[%mul3A_34, %dma_start3A_62] : memref<40x125xi32, #tpu.memory_space<vmem>> -> memref<1x125xi32, #tpu.memory_space<vmem>>
          %dma_start3A_64 = tpu.memref_squeeze %dma_start3A_63 : memref<1x125xi32, #tpu.memory_space<vmem>> -> memref<125xi32, #tpu.memory_space<vmem>>
          %dma_start3A_65 = arith.constant 0 : i32
          %dma_start3A_66 = arith.constant 0 : i32
          %dma_start3A_67 = tpu.memref_slice %arg11[%dma_start3A_65, %dma_start3A_66] : memref<10240x128xf32, #tpu.memory_space<vmem_shared>> -> memref<10240x128xf32, #tpu.memory_space<vmem_shared>>
          tpu.enqueue_indirect_dma source(%arg9 : memref<125x128xf32, #tpu.memory_space<vmem>>) target(%dma_start3A_67 : memref<10240x128xf32, #tpu.memory_space<vmem_shared>>) offsets(%dma_start3A_64 : memref<125xi32, #tpu.memory_space<vmem>>) semaphore(%run_scoped3A : memref<!tpu.dma_semaphore, #tpu.memory_space<semaphore_mem>>) {add = true}
          %dma_wait3A_68 = arith.constant 0 : i32
          %dma_wait3A_69 = tpu.memref_slice %arg8[%mul3A_34, %dma_wait3A_68] : memref<40x125xi32, #tpu.memory_space<vmem>> -> memref<1x125xi32, #tpu.memory_space<vmem>>
          %dma_wait3A_70 = tpu.memref_squeeze %dma_wait3A_69 : memref<1x125xi32, #tpu.memory_space<vmem>> -> memref<125xi32, #tpu.memory_space<vmem>>
          %dma_wait3A_71 = arith.constant 0 : i32
          %dma_wait3A_72 = arith.constant 0 : i32
          %dma_wait3A_73 = tpu.memref_slice %arg11[%dma_wait3A_71, %dma_wait3A_72] : memref<10240x128xf32, #tpu.memory_space<vmem_shared>> -> memref<10240x128xf32, #tpu.memory_space<vmem_shared>>
          tpu.wait_indirect_dma semaphore(%run_scoped3A : memref<!tpu.dma_semaphore, #tpu.memory_space<semaphore_mem>>) src(%arg9 : memref<125x128xf32, #tpu.memory_space<vmem>>) dst(%dma_wait3A_73 : memref<10240x128xf32, #tpu.memory_space<vmem_shared>>)
          tpu.yield
        }) : () -> ()
        %add3A_48 = arith.constant 1 : i32
        %add3A_49 = arith.addi %mul3A_34, %add3A_48 : i32
        %dma_wait3A_50 = arith.constant 0 : i32
        %dma_wait3A_51 = tpu.memref_slice %arg7[%add3A_49, %dma_wait3A_50] : memref<40x125xi32, #tpu.memory_space<vmem>> -> memref<1x125xi32, #tpu.memory_space<vmem>>
        %dma_wait3A_52 = tpu.memref_squeeze %dma_wait3A_51 : memref<1x125xi32, #tpu.memory_space<vmem>> -> memref<125xi32, #tpu.memory_space<vmem>>
        %dma_wait3A_53 = arith.constant 0 : i32
        %dma_wait3A_54 = arith.constant 0 : i32
        %dma_wait3A_55 = tpu.memref_slice %arg2[%dma_wait3A_53, %dma_wait3A_54] : memref<10000x128xf32, #tpu.memory_space<hbm>> -> memref<10000x128xf32, #tpu.memory_space<hbm>>
        tpu.wait_indirect_dma semaphore(%arg13 : memref<!tpu.dma_semaphore, #tpu.memory_space<semaphore_mem>>) src(%dma_wait3A_55 : memref<10000x128xf32, #tpu.memory_space<hbm>>) dst(%arg10 : memref<125x128xf32, #tpu.memory_space<vmem>>)
        %add3A_56 = arith.constant 2 : i32
        %add3A_57 = arith.addi %mul3A_34, %add3A_56 : i32
        %lt3A = arith.constant 40 : i32
        %lt3A_58 = arith.cmpi slt, %add3A_57, %lt3A : i32
        %convert_element_type3A = arith.extui %lt3A_58 : i1 to i32
        %cond3A = arith.constant 0 : i32
        %cond3A_59 = arith.cmpi ne, %convert_element_type3A, %cond3A : i32
        scf.if %cond3A_59 {
          %add3A_62 = arith.constant 2 : i32
          %add3A_63 = arith.addi %mul3A_34, %add3A_62 : i32
          %dma_start3A_64 = arith.constant 0 : i32
          %dma_start3A_65 = tpu.memref_slice %arg7[%add3A_63, %dma_start3A_64] : memref<40x125xi32, #tpu.memory_space<vmem>> -> memref<1x125xi32, #tpu.memory_space<vmem>>
          %dma_start3A_66 = tpu.memref_squeeze %dma_start3A_65 : memref<1x125xi32, #tpu.memory_space<vmem>> -> memref<125xi32, #tpu.memory_space<vmem>>
          %dma_start3A_67 = arith.constant 0 : i32
          %dma_start3A_68 = arith.constant 0 : i32
          %dma_start3A_69 = tpu.memref_slice %arg2[%dma_start3A_67, %dma_start3A_68] : memref<10000x128xf32, #tpu.memory_space<hbm>> -> memref<10000x128xf32, #tpu.memory_space<hbm>>
          tpu.enqueue_indirect_dma source(%dma_start3A_69 : memref<10000x128xf32, #tpu.memory_space<hbm>>) target(%arg9 : memref<125x128xf32, #tpu.memory_space<vmem>>) offsets(%dma_start3A_66 : memref<125xi32, #tpu.memory_space<vmem>>) semaphore(%arg12 : memref<!tpu.dma_semaphore, #tpu.memory_space<semaphore_mem>>)
        } else {
        }
        %add3A_60 = arith.constant 1 : i32
        %add3A_61 = arith.addi %mul3A_34, %add3A_60 : i32
        "tpu.region"() ({
          %run_scoped3A = tpu.sem_alloc : memref<!tpu.dma_semaphore, #tpu.memory_space<semaphore_mem>>
          %dma_start3A_62 = arith.constant 0 : i32
          %dma_start3A_63 = tpu.memref_slice %arg8[%add3A_61, %dma_start3A_62] : memref<40x125xi32, #tpu.memory_space<vmem>> -> memref<1x125xi32, #tpu.memory_space<vmem>>
          %dma_start3A_64 = tpu.memref_squeeze %dma_start3A_63 : memref<1x125xi32, #tpu.memory_space<vmem>> -> memref<125xi32, #tpu.memory_space<vmem>>
          %dma_start3A_65 = arith.constant 0 : i32
          %dma_start3A_66 = arith.constant 0 : i32
          %dma_start3A_67 = tpu.memref_slice %arg11[%dma_start3A_65, %dma_start3A_66] : memref<10240x128xf32, #tpu.memory_space<vmem_shared>> -> memref<10240x128xf32, #tpu.memory_space<vmem_shared>>
          tpu.enqueue_indirect_dma source(%arg10 : memref<125x128xf32, #tpu.memory_space<vmem>>) target(%dma_start3A_67 : memref<10240x128xf32, #tpu.memory_space<vmem_shared>>) offsets(%dma_start3A_64 : memref<125xi32, #tpu.memory_space<vmem>>) semaphore(%run_scoped3A : memref<!tpu.dma_semaphore, #tpu.memory_space<semaphore_mem>>) {add = true}
          %dma_wait3A_68 = arith.constant 0 : i32
          %dma_wait3A_69 = tpu.memref_slice %arg8[%add3A_61, %dma_wait3A_68] : memref<40x125xi32, #tpu.memory_space<vmem>> -> memref<1x125xi32, #tpu.memory_space<vmem>>
          %dma_wait3A_70 = tpu.memref_squeeze %dma_wait3A_69 : memref<1x125xi32, #tpu.memory_space<vmem>> -> memref<125xi32, #tpu.memory_space<vmem>>
          %dma_wait3A_71 = arith.constant 0 : i32
          %dma_wait3A_72 = arith.constant 0 : i32
          %dma_wait3A_73 = tpu.memref_slice %arg11[%dma_wait3A_71, %dma_wait3A_72] : memref<10240x128xf32, #tpu.memory_space<vmem_shared>> -> memref<10240x128xf32, #tpu.memory_space<vmem_shared>>
          tpu.wait_indirect_dma semaphore(%run_scoped3A : memref<!tpu.dma_semaphore, #tpu.memory_space<semaphore_mem>>) src(%arg10 : memref<125x128xf32, #tpu.memory_space<vmem>>) dst(%dma_wait3A_73 : memref<10240x128xf32, #tpu.memory_space<vmem_shared>>)
          tpu.yield
        }) : () -> ()
      }
      %scan3A_31 = arith.constant 20 : i32
    }
    %scan3A_9 = arith.constant 2 : i32
    %barrier3A_10 = arith.constant 0 : index
    tpu.barrier barrier_id(%barrier3A_10)
    %mul3A_11 = arith.constant 640 : i32
    %mul3A_12 = arith.muli %arg1, %mul3A_11 : i32
    %mul3A_13 = arith.constant 640 : i32
    %mul3A_14 = arith.muli %arg1, %mul3A_13 : i32
    "tpu.region"() ({
      %run_scoped3A = tpu.sem_alloc : memref<!tpu.dma_semaphore, #tpu.memory_space<semaphore_mem>>
      %dma_start3A = arith.constant 0 : i32
      %dma_start3A_15 = tpu.memref_slice %arg6[%arg0, %mul3A_14, %dma_start3A] : memref<2x10240x128xf32, #tpu.memory_space<hbm>> -> memref<1x640x128xf32, #tpu.memory_space<hbm>>
      %dma_start3A_16 = tpu.memref_squeeze %dma_start3A_15 : memref<1x640x128xf32, #tpu.memory_space<hbm>> -> memref<640x128xf32, #tpu.memory_space<hbm>>
      %dma_start3A_17 = arith.constant 0 : i32
      %dma_start3A_18 = tpu.memref_slice %arg11[%mul3A_12, %dma_start3A_17] : memref<10240x128xf32, #tpu.memory_space<vmem_shared>> -> memref<640x128xf32, #tpu.memory_space<vmem_shared>>
      tpu.enqueue_dma source(%dma_start3A_18 : memref<640x128xf32, #tpu.memory_space<vmem_shared>>) target(%dma_start3A_16 : memref<640x128xf32, #tpu.memory_space<hbm>>) target_semaphore(%run_scoped3A : memref<!tpu.dma_semaphore, #tpu.memory_space<semaphore_mem>>)
      %dma_wait3A = arith.constant 0 : i32
      %dma_wait3A_19 = tpu.memref_slice %arg6[%arg0, %mul3A_14, %dma_wait3A] : memref<2x10240x128xf32, #tpu.memory_space<hbm>> -> memref<1x640x128xf32, #tpu.memory_space<hbm>>
      %dma_wait3A_20 = tpu.memref_squeeze %dma_wait3A_19 : memref<1x640x128xf32, #tpu.memory_space<hbm>> -> memref<640x128xf32, #tpu.memory_space<hbm>>
      %dma_wait3A_21 = arith.constant 0 : i32
      %dma_wait3A_22 = tpu.memref_slice %arg11[%mul3A_12, %dma_wait3A_21] : memref<10240x128xf32, #tpu.memory_space<vmem_shared>> -> memref<640x128xf32, #tpu.memory_space<vmem_shared>>
      tpu.wait_dma2 semaphore(%run_scoped3A : memref<!tpu.dma_semaphore, #tpu.memory_space<semaphore_mem>>) src(%dma_wait3A_22 : memref<640x128xf32, #tpu.memory_space<vmem_shared>>) dst(%dma_wait3A_20 : memref<640x128xf32, #tpu.memory_space<hbm>>)
      tpu.yield
    }) : () -> ()
    return
  }
}

module attributes {stable_mosaic.version = 14 : i64} {
  func.func @body(%arg0: i32, %arg1: memref<1000x2xf32, #tpu.memory_space<vmem>>, %arg2: memref<1000x128xf32, #tpu.memory_space<vmem>>, %arg3: memref<1000x1xf32, #tpu.memory_space<vmem>>, %arg4: memref<1000x128xf32, #tpu.memory_space<vmem>>) attributes {dimension_semantics = [#tpu.dimension_semantics<arbitrary>], iteration_bounds = array<i64: 10>, scalar_prefetch = 0 : i64, scratch_operands = 0 : i64, tpu.core_type = #tpu.core_type<tc>, window_params = [{transform_indices = @transform_0, window_bounds = array<i64: 1000, 2>}, {transform_indices = @transform_1, window_bounds = array<i64: 1000, 128>}, {transform_indices = @transform_2, window_bounds = array<i64: 1000, 1>}, {transform_indices = @transform_3, window_bounds = array<i64: 1000, 128>}]} {
    %get3A = arith.constant 0 : index
    %get3A_0 = arith.constant 0 : index
    %get3A_1 = vector.load %arg1[%get3A, %get3A_0] : memref<1000x2xf32, #tpu.memory_space<vmem>>, vector<1000x2xf32>
    %reduce_sum3A = arith.constant dense<0.000000e+00> : vector<1000xf32>
    %reduce_sum3A_2 = vector.multi_reduction <add>, %get3A_1, %reduce_sum3A [1] : vector<1000x2xf32> to vector<1000xf32>
    %broadcast_in_dim3A = vector.shape_cast %reduce_sum3A_2 : vector<1000xf32> to vector<1000x1xf32>
    %max3A = arith.constant 1.000000e+00 : f32
    %max3A_3 = vector.broadcast %max3A : f32 to vector<1000x1xf32>
    %max3A_4 = arith.maximumf %broadcast_in_dim3A, %max3A_3 : vector<1000x1xf32>
    %rsqrt3A = math.rsqrt %max3A_4 : vector<1000x1xf32>
    %swap3A = arith.constant 0 : index
    %swap3A_5 = arith.constant 0 : index
    %swap3A_6 = vector.load %arg3[%swap3A, %swap3A_5] : memref<1000x1xf32, #tpu.memory_space<vmem>>, vector<1000x1xf32>
    tpu.vector_store %arg3[%swap3A, %swap3A_5], %rsqrt3A {strides = array<i32>} : memref<1000x1xf32, #tpu.memory_space<vmem>>, vector<1000x1xf32>,
    %get3A_7 = arith.constant 0 : index
    %get3A_8 = arith.constant 0 : index
    %get3A_9 = vector.load %arg2[%get3A_7, %get3A_8] : memref<1000x128xf32, #tpu.memory_space<vmem>>, vector<1000x128xf32>
    %mul3A = vector.broadcast %rsqrt3A : vector<1000x1xf32> to vector<1000x128xf32>
    %mul3A_10 = arith.mulf %get3A_9, %mul3A : vector<1000x128xf32>
    %swap3A_11 = arith.constant 0 : index
    %swap3A_12 = arith.constant 0 : index
    %swap3A_13 = vector.load %arg4[%swap3A_11, %swap3A_12] : memref<1000x128xf32, #tpu.memory_space<vmem>>, vector<1000x128xf32>
    tpu.vector_store %arg4[%swap3A_11, %swap3A_12], %mul3A_10 {strides = array<i32>} : memref<1000x128xf32, #tpu.memory_space<vmem>>, vector<1000x128xf32>,
    return
  }
  func.func @transform_0(%arg0: i32) -> (i32, i32) {
    %c0_i32 = arith.constant 0 : i32
    %c0_i32_0 = arith.constant 0 : i32
    return %arg0, %c0_i32 : i32, i32
  }
  func.func @transform_1(%arg0: i32) -> (i32, i32) {
    %c0_i32 = arith.constant 0 : i32
    %c0_i32_0 = arith.constant 0 : i32
    return %arg0, %c0_i32 : i32, i32
  }
  func.func @transform_2(%arg0: i32) -> (i32, i32) {
    %c0_i32 = arith.constant 0 : i32
    %c0_i32_0 = arith.constant 0 : i32
    return %arg0, %c0_i32 : i32, i32
  }
  func.func @transform_3(%arg0: i32) -> (i32, i32) {
    %c0_i32 = arith.constant 0 : i32
    %c0_i32_0 = arith.constant 0 : i32
    return %arg0, %c0_i32 : i32, i32
  }
}

module attributes {stable_mosaic.version = 14 : i64} {
  func.func @body(%arg0: i32, %arg1: memref<1000x128xf32, #tpu.memory_space<vmem>>, %arg2: memref<2x1000x128xf32, #tpu.memory_space<vmem>>, %arg3: memref<1000x1xf32, #tpu.memory_space<vmem>>, %arg4: memref<256x128xf32, #tpu.memory_space<vmem>>, %arg5: memref<1x128xf32, #tpu.memory_space<vmem>>, %arg6: memref<1x128xf32, #tpu.memory_space<vmem>>, %arg7: memref<1x128xf32, #tpu.memory_space<vmem>>, %arg8: memref<1000x128xf32, #tpu.memory_space<vmem>>, %arg9: memref<1000x128xf32, #tpu.memory_space<vmem>>, %arg10: memref<10000x128xf32, #tpu.memory_space<vmem>>, %arg11: memref<2x128xf32, #tpu.memory_space<vmem>>) attributes {dimension_semantics = [#tpu.dimension_semantics<arbitrary>], iteration_bounds = array<i64: 20>, scalar_prefetch = 0 : i64, scratch_operands = 2 : i64, tpu.core_type = #tpu.core_type<tc>, window_params = [{transform_indices = @transform_0, window_bounds = array<i64: 1000, 128>}, {transform_indices = @transform_1, window_bounds = array<i64: 2, 1000, 128>}, {transform_indices = @transform_2, window_bounds = array<i64: 1000, 1>}, {pipeline_mode = #tpu.pipeline_mode<synchronous>, transform_indices = @transform_3, window_bounds = array<i64: 256, 128>}, {pipeline_mode = #tpu.pipeline_mode<synchronous>, transform_indices = @transform_4, window_bounds = array<i64: 1, 128>}, {pipeline_mode = #tpu.pipeline_mode<synchronous>, transform_indices = @transform_5, window_bounds = array<i64: 1, 128>}, {pipeline_mode = #tpu.pipeline_mode<synchronous>, transform_indices = @transform_6, window_bounds = array<i64: 1, 128>}, {transform_indices = @transform_7, window_bounds = array<i64: 1000, 128>}, {transform_indices = @transform_8, window_bounds = array<i64: 1000, 128>}]} {
    %lt3A = arith.constant 10 : i32
    %lt3A_0 = arith.cmpi slt, %arg0, %lt3A : i32
    %convert_element_type3A = arith.extui %lt3A_0 : i1 to i32
    %cond3A = arith.constant 0 : i32
    %cond3A_1 = arith.cmpi ne, %convert_element_type3A, %cond3A : i32
    scf.if %cond3A_1 {
      %get3A = arith.constant 0 : index
      %get3A_6 = arith.constant 0 : index
      %get3A_7 = arith.constant 0 : index
      %get3A_8 = vector.load %arg2[%get3A, %get3A_6, %get3A_7] : memref<2x1000x128xf32, #tpu.memory_space<vmem>>, vector<1x1000x128xf32>
      %get3A_9 = vector.shape_cast %get3A_8 : vector<1x1000x128xf32> to vector<1000x128xf32>
      %get3A_10 = arith.constant 1 : index
      %get3A_11 = arith.constant 0 : index
      %get3A_12 = arith.constant 0 : index
      %get3A_13 = vector.load %arg2[%get3A_10, %get3A_11, %get3A_12] : memref<2x1000x128xf32, #tpu.memory_space<vmem>>, vector<1x1000x128xf32>
      %get3A_14 = vector.shape_cast %get3A_13 : vector<1x1000x128xf32> to vector<1000x128xf32>
      %add3A = arith.addf %get3A_9, %get3A_14 : vector<1000x128xf32>
      %get3A_15 = arith.constant 0 : index
      %get3A_16 = arith.constant 0 : index
      %get3A_17 = vector.load %arg3[%get3A_15, %get3A_16] : memref<1000x1xf32, #tpu.memory_space<vmem>>, vector<1000x1xf32>
      %mul3A = vector.broadcast %get3A_17 : vector<1000x1xf32> to vector<1000x128xf32>
      %mul3A_18 = arith.mulf %add3A, %mul3A : vector<1000x128xf32>
      %neg3A = arith.constant 0.000000e+00 : f32
      %neg3A_19 = vector.broadcast %neg3A : f32 to vector<1000x128xf32>
      %neg3A_20 = arith.subf %neg3A_19, %mul3A_18 : vector<1000x128xf32>
      %get3A_21 = arith.constant 0 : index
      %get3A_22 = arith.constant 0 : index
      %get3A_23 = vector.load %arg1[%get3A_21, %get3A_22] : memref<1000x128xf32, #tpu.memory_space<vmem>>, vector<1000x128xf32>
      %get3A_24 = arith.constant 0 : index
      %get3A_25 = arith.constant 0 : index
      %get3A_26 = vector.load %arg4[%get3A_24, %get3A_25] : memref<256x128xf32, #tpu.memory_space<vmem>>, vector<128x128xf32>
      %dot_general3A = arith.constant dense<0.000000e+00> : vector<1000x128xf32>
      %dot_general3A_27 = tpu.matmul %get3A_23, %get3A_26, %dot_general3A {dimension_numbers = #tpu.dot_dimension_numbers<[1], [0], [0], [1], [0, 0, 1, 1], [], []>, transpose_lhs_hint = false} : vector<1000x128xf32>, vector<128x128xf32>, vector<1000x128xf32> -> vector<1000x128xf32>
      %get3A_28 = arith.constant 128 : index
      %get3A_29 = arith.constant 0 : index
      %get3A_30 = vector.load %arg4[%get3A_28, %get3A_29] : memref<256x128xf32, #tpu.memory_space<vmem>>, vector<128x128xf32>
      %dot_general3A_31 = arith.constant dense<0.000000e+00> : vector<1000x128xf32>
      %dot_general3A_32 = tpu.matmul %neg3A_20, %get3A_30, %dot_general3A_31 {dimension_numbers = #tpu.dot_dimension_numbers<[1], [0], [0], [1], [0, 0, 1, 1], [], []>, transpose_lhs_hint = false} : vector<1000x128xf32>, vector<128x128xf32>, vector<1000x128xf32> -> vector<1000x128xf32>
      %add3A_33 = arith.addf %dot_general3A_27, %dot_general3A_32 : vector<1000x128xf32>
      %get3A_34 = arith.constant 0 : index
      %get3A_35 = arith.constant 0 : index
      %get3A_36 = vector.load %arg5[%get3A_34, %get3A_35] : memref<1x128xf32, #tpu.memory_space<vmem>>, vector<1x128xf32>
      %add3A_37 = vector.broadcast %get3A_36 : vector<1x128xf32> to vector<1000x128xf32>
      %add3A_38 = arith.addf %add3A_33, %add3A_37 : vector<1000x128xf32>
      %max3A = arith.constant 0.000000e+00 : f32
      %max3A_39 = vector.broadcast %max3A : f32 to vector<1000x128xf32>
      %max3A_40 = arith.maximumf %add3A_38, %max3A_39 : vector<1000x128xf32>
      %mul3A_41 = arith.constant 1000 : i32
      %mul3A_42 = arith.muli %arg0, %mul3A_41 : i32
      %swap3A = arith.index_cast %mul3A_42 : i32 to index
      %swap3A_43 = arith.constant 0 : index
      %swap3A_44 = vector.load %arg10[%swap3A, %swap3A_43] : memref<10000x128xf32, #tpu.memory_space<vmem>>, vector<1000x128xf32>
      tpu.vector_store %arg10[%swap3A, %swap3A_43], %max3A_40 {strides = array<i32>} : memref<10000x128xf32, #tpu.memory_space<vmem>>, vector<1000x128xf32>,
      %reduce_sum3A = arith.constant dense<0.000000e+00> : vector<128xf32>
      %reduce_sum3A_45 = vector.multi_reduction <add>, %max3A_40, %reduce_sum3A [0] : vector<1000x128xf32> to vector<128xf32>
      %broadcast_in_dim3A = vector.shape_cast %reduce_sum3A_45 : vector<128xf32> to vector<1x128xf32>
      %mul3A_46 = arith.mulf %max3A_40, %max3A_40 : vector<1000x128xf32>
      %reduce_sum3A_47 = arith.constant dense<0.000000e+00> : vector<128xf32>
      %reduce_sum3A_48 = vector.multi_reduction <add>, %mul3A_46, %reduce_sum3A_47 [0] : vector<1000x128xf32> to vector<128xf32>
      %broadcast_in_dim3A_49 = vector.shape_cast %reduce_sum3A_48 : vector<128xf32> to vector<1x128xf32>
      %concatenate3A = tpu.concatenate %broadcast_in_dim3A, %broadcast_in_dim3A_49 in 0 : vector<1x128xf32>, vector<1x128xf32> -> vector<2x128xf32>
      %eq3A = arith.constant 0 : i32
      %eq3A_50 = arith.cmpi eq, %arg0, %eq3A : i32
      %convert_element_type3A_51 = arith.extui %eq3A_50 : i1 to i32
      %cond3A_52 = arith.constant 0 : i32
      %cond3A_53 = arith.cmpi ne, %convert_element_type3A_51, %cond3A_52 : i32
      scf.if %cond3A_53 {
        %swap3A_58 = arith.constant 0 : index
        %swap3A_59 = arith.constant 0 : index
        %swap3A_60 = vector.load %arg11[%swap3A_58, %swap3A_59] : memref<2x128xf32, #tpu.memory_space<vmem>>, vector<2x128xf32>
        tpu.vector_store %arg11[%swap3A_58, %swap3A_59], %concatenate3A {strides = array<i32>} : memref<2x128xf32, #tpu.memory_space<vmem>>, vector<2x128xf32>,
      } else {
      }
      %gt3A = arith.constant 0 : i32
      %gt3A_54 = arith.cmpi sgt, %arg0, %gt3A : i32
      %convert_element_type3A_55 = arith.extui %gt3A_54 : i1 to i32
      %cond3A_56 = arith.constant 0 : i32
      %cond3A_57 = arith.cmpi ne, %convert_element_type3A_55, %cond3A_56 : i32
      scf.if %cond3A_57 {
        %get3A_58 = arith.constant 0 : index
        %get3A_59 = arith.constant 0 : index
        %get3A_60 = vector.load %arg11[%get3A_58, %get3A_59] : memref<2x128xf32, #tpu.memory_space<vmem>>, vector<2x128xf32>
        %add3A_61 = arith.addf %get3A_60, %concatenate3A : vector<2x128xf32>
        %swap3A_62 = arith.constant 0 : index
        %swap3A_63 = arith.constant 0 : index
        %swap3A_64 = vector.load %arg11[%swap3A_62, %swap3A_63] : memref<2x128xf32, #tpu.memory_space<vmem>>, vector<2x128xf32>
        tpu.vector_store %arg11[%swap3A_62, %swap3A_63], %add3A_61 {strides = array<i32>} : memref<2x128xf32, #tpu.memory_space<vmem>>, vector<2x128xf32>,
      } else {
      }
    } else {
    }
    %ge3A = arith.constant 10 : i32
    %ge3A_2 = arith.cmpi sge, %arg0, %ge3A : i32
    %convert_element_type3A_3 = arith.extui %ge3A_2 : i1 to i32
    %cond3A_4 = arith.constant 0 : i32
    %cond3A_5 = arith.cmpi ne, %convert_element_type3A_3, %cond3A_4 : i32
    scf.if %cond3A_5 {
      %get3A = arith.constant 0 : index
      %get3A_6 = arith.constant 0 : index
      %get3A_7 = vector.load %arg11[%get3A, %get3A_6] : memref<2x128xf32, #tpu.memory_space<vmem>>, vector<1x128xf32>
      %mul3A = arith.constant 9.99999974E-5 : f32
      %mul3A_8 = vector.broadcast %mul3A : f32 to vector<1x128xf32>
      %mul3A_9 = arith.mulf %get3A_7, %mul3A_8 : vector<1x128xf32>
      %get3A_10 = arith.constant 1 : index
      %get3A_11 = arith.constant 0 : index
      %get3A_12 = vector.load %arg11[%get3A_10, %get3A_11] : memref<2x128xf32, #tpu.memory_space<vmem>>, vector<1x128xf32>
      %mul3A_13 = arith.constant 9.99999974E-5 : f32
      %mul3A_14 = vector.broadcast %mul3A_13 : f32 to vector<1x128xf32>
      %mul3A_15 = arith.mulf %get3A_12, %mul3A_14 : vector<1x128xf32>
      %mul3A_16 = arith.mulf %mul3A_9, %mul3A_9 : vector<1x128xf32>
      %sub3A = arith.subf %mul3A_15, %mul3A_16 : vector<1x128xf32>
      %add3A = arith.constant 9.99999974E-6 : f32
      %add3A_17 = vector.broadcast %add3A : f32 to vector<1x128xf32>
      %add3A_18 = arith.addf %sub3A, %add3A_17 : vector<1x128xf32>
      %rsqrt3A = math.rsqrt %add3A_18 : vector<1x128xf32>
      %get3A_19 = arith.constant 0 : index
      %get3A_20 = arith.constant 0 : index
      %get3A_21 = vector.load %arg6[%get3A_19, %get3A_20] : memref<1x128xf32, #tpu.memory_space<vmem>>, vector<1x128xf32>
      %mul3A_22 = arith.mulf %rsqrt3A, %get3A_21 : vector<1x128xf32>
      %get3A_23 = arith.constant 0 : index
      %get3A_24 = arith.constant 0 : index
      %get3A_25 = vector.load %arg7[%get3A_23, %get3A_24] : memref<1x128xf32, #tpu.memory_space<vmem>>, vector<1x128xf32>
      %mul3A_26 = arith.mulf %mul3A_22, %mul3A_9 : vector<1x128xf32>
      %sub3A_27 = arith.subf %get3A_25, %mul3A_26 : vector<1x128xf32>
      %sub3A_28 = arith.constant 10 : i32
      %sub3A_29 = arith.subi %arg0, %sub3A_28 : i32
      %mul3A_30 = arith.constant 1000 : i32
      %mul3A_31 = arith.muli %sub3A_29, %mul3A_30 : i32
      %get3A_32 = arith.index_cast %mul3A_31 : i32 to index
      %get3A_33 = arith.constant 0 : index
      %get3A_34 = vector.load %arg10[%get3A_32, %get3A_33] : memref<10000x128xf32, #tpu.memory_space<vmem>>, vector<1000x128xf32>
      %mul3A_35 = vector.broadcast %mul3A_22 : vector<1x128xf32> to vector<1000x128xf32>
      %mul3A_36 = arith.mulf %mul3A_35, %get3A_34 : vector<1000x128xf32>
      %add3A_37 = vector.broadcast %sub3A_27 : vector<1x128xf32> to vector<1000x128xf32>
      %add3A_38 = arith.addf %mul3A_36, %add3A_37 : vector<1000x128xf32>
      %swap3A = arith.constant 0 : index
      %swap3A_39 = arith.constant 0 : index
      %swap3A_40 = vector.load %arg8[%swap3A, %swap3A_39] : memref<1000x128xf32, #tpu.memory_space<vmem>>, vector<1000x128xf32>
      tpu.vector_store %arg8[%swap3A, %swap3A_39], %add3A_38 {strides = array<i32>} : memref<1000x128xf32, #tpu.memory_space<vmem>>, vector<1000x128xf32>,
      %get3A_41 = arith.constant 0 : index
      %get3A_42 = arith.constant 0 : index
      %get3A_43 = vector.load %arg3[%get3A_41, %get3A_42] : memref<1000x1xf32, #tpu.memory_space<vmem>>, vector<1000x1xf32>
      %mul3A_44 = vector.broadcast %get3A_43 : vector<1000x1xf32> to vector<1000x128xf32>
      %mul3A_45 = arith.mulf %add3A_38, %mul3A_44 : vector<1000x128xf32>
      %swap3A_46 = arith.constant 0 : index
      %swap3A_47 = arith.constant 0 : index
      %swap3A_48 = vector.load %arg9[%swap3A_46, %swap3A_47] : memref<1000x128xf32, #tpu.memory_space<vmem>>, vector<1000x128xf32>
      tpu.vector_store %arg9[%swap3A_46, %swap3A_47], %mul3A_45 {strides = array<i32>} : memref<1000x128xf32, #tpu.memory_space<vmem>>, vector<1000x128xf32>,
    } else {
    }
    return
  }
  func.func @transform_0(%arg0: i32) -> (i32, i32) {
    %lt3A = arith.constant 10 : i32
    %lt3A_0 = arith.cmpi slt, %arg0, %lt3A : i32
    %jit3A = arith.constant 0 : i32
    %select_n3A = arith.select %lt3A_0, %arg0, %jit3A : i32
    %c0_i32 = arith.constant 0 : i32
    %c0_i32_1 = arith.constant 0 : i32
    return %select_n3A, %c0_i32 : i32, i32
  }
  func.func @transform_1(%arg0: i32) -> (i32, i32, i32) {
    %lt3A = arith.constant 10 : i32
    %lt3A_0 = arith.cmpi slt, %arg0, %lt3A : i32
    %jit3A = arith.constant 0 : i32
    %select_n3A = arith.select %lt3A_0, %arg0, %jit3A : i32
    %c0_i32 = arith.constant 0 : i32
    %c0_i32_1 = arith.constant 0 : i32
    %c0_i32_2 = arith.constant 0 : i32
    return %c0_i32, %select_n3A, %c0_i32_1 : i32, i32, i32
  }
  func.func @transform_2(%arg0: i32) -> (i32, i32) {
    %rem3A = arith.constant 10 : i32
    %rem3A_0 = arith.remsi %arg0, %rem3A : i32
    %c0_i32 = arith.constant 0 : i32
    %c0_i32_1 = arith.constant 0 : i32
    return %rem3A_0, %c0_i32 : i32, i32
  }
  func.func @transform_3(%arg0: i32) -> (i32, i32) {
    %c0_i32 = arith.constant 0 : i32
    %c0_i32_0 = arith.constant 0 : i32
    %c0_i32_1 = arith.constant 0 : i32
    return %c0_i32, %c0_i32_0 : i32, i32
  }
  func.func @transform_4(%arg0: i32) -> (i32, i32) {
    %c0_i32 = arith.constant 0 : i32
    %c0_i32_0 = arith.constant 0 : i32
    %c0_i32_1 = arith.constant 0 : i32
    return %c0_i32, %c0_i32_0 : i32, i32
  }
  func.func @transform_5(%arg0: i32) -> (i32, i32) {
    %c0_i32 = arith.constant 0 : i32
    %c0_i32_0 = arith.constant 0 : i32
    %c0_i32_1 = arith.constant 0 : i32
    return %c0_i32, %c0_i32_0 : i32, i32
  }
  func.func @transform_6(%arg0: i32) -> (i32, i32) {
    %c0_i32 = arith.constant 0 : i32
    %c0_i32_0 = arith.constant 0 : i32
    %c0_i32_1 = arith.constant 0 : i32
    return %c0_i32, %c0_i32_0 : i32, i32
  }
  func.func @transform_7(%arg0: i32) -> (i32, i32) {
    %sub3A = arith.constant 10 : i32
    %sub3A_0 = arith.subi %arg0, %sub3A : i32
    %max3A = arith.constant 0 : i32
    %max3A_1 = arith.maxsi %sub3A_0, %max3A : i32
    %c0_i32 = arith.constant 0 : i32
    %c0_i32_2 = arith.constant 0 : i32
    return %max3A_1, %c0_i32 : i32, i32
  }
  func.func @transform_8(%arg0: i32) -> (i32, i32) {
    %sub3A = arith.constant 10 : i32
    %sub3A_0 = arith.subi %arg0, %sub3A : i32
    %max3A = arith.constant 0 : i32
    %max3A_1 = arith.maxsi %sub3A_0, %max3A : i32
    %c0_i32 = arith.constant 0 : i32
    %c0_i32_2 = arith.constant 0 : i32
    return %max3A_1, %c0_i32 : i32, i32
  }
}

module attributes {stable_mosaic.version = 14 : i64} {
  func.func @body(%arg0: i32, %arg1: memref<1000x128xf32, #tpu.memory_space<vmem>>, %arg2: memref<2x1000x128xf32, #tpu.memory_space<vmem>>, %arg3: memref<1000x1xf32, #tpu.memory_space<vmem>>, %arg4: memref<256x128xf32, #tpu.memory_space<vmem>>, %arg5: memref<1x128xf32, #tpu.memory_space<vmem>>, %arg6: memref<128x128xf32, #tpu.memory_space<vmem>>, %arg7: memref<1x128xf32, #tpu.memory_space<vmem>>, %arg8: memref<128x128xf32, #tpu.memory_space<vmem>>, %arg9: memref<1x128xf32, #tpu.memory_space<vmem>>, %arg10: memref<1000x128xf32, #tpu.memory_space<vmem>>) attributes {dimension_semantics = [#tpu.dimension_semantics<arbitrary>], iteration_bounds = array<i64: 10>, scalar_prefetch = 0 : i64, scratch_operands = 0 : i64, tpu.core_type = #tpu.core_type<tc>, window_params = [{transform_indices = @transform_0, window_bounds = array<i64: 1000, 128>}, {transform_indices = @transform_1, window_bounds = array<i64: 2, 1000, 128>}, {transform_indices = @transform_2, window_bounds = array<i64: 1000, 1>}, {pipeline_mode = #tpu.pipeline_mode<synchronous>, transform_indices = @transform_3, window_bounds = array<i64: 256, 128>}, {pipeline_mode = #tpu.pipeline_mode<synchronous>, transform_indices = @transform_4, window_bounds = array<i64: 1, 128>}, {pipeline_mode = #tpu.pipeline_mode<synchronous>, transform_indices = @transform_5, window_bounds = array<i64: 128, 128>}, {pipeline_mode = #tpu.pipeline_mode<synchronous>, transform_indices = @transform_6, window_bounds = array<i64: 1, 128>}, {pipeline_mode = #tpu.pipeline_mode<synchronous>, transform_indices = @transform_7, window_bounds = array<i64: 128, 128>}, {pipeline_mode = #tpu.pipeline_mode<synchronous>, transform_indices = @transform_8, window_bounds = array<i64: 1, 128>}, {transform_indices = @transform_9, window_bounds = array<i64: 1000, 128>}]} {
    %get3A = arith.constant 0 : index
    %get3A_0 = arith.constant 0 : index
    %get3A_1 = vector.load %arg1[%get3A, %get3A_0] : memref<1000x128xf32, #tpu.memory_space<vmem>>, vector<1000x128xf32>
    %get3A_2 = arith.constant 0 : index
    %get3A_3 = arith.constant 0 : index
    %get3A_4 = arith.constant 0 : index
    %get3A_5 = vector.load %arg2[%get3A_2, %get3A_3, %get3A_4] : memref<2x1000x128xf32, #tpu.memory_space<vmem>>, vector<1x1000x128xf32>
    %get3A_6 = vector.shape_cast %get3A_5 : vector<1x1000x128xf32> to vector<1000x128xf32>
    %get3A_7 = arith.constant 1 : index
    %get3A_8 = arith.constant 0 : index
    %get3A_9 = arith.constant 0 : index
    %get3A_10 = vector.load %arg2[%get3A_7, %get3A_8, %get3A_9] : memref<2x1000x128xf32, #tpu.memory_space<vmem>>, vector<1x1000x128xf32>
    %get3A_11 = vector.shape_cast %get3A_10 : vector<1x1000x128xf32> to vector<1000x128xf32>
    %add3A = arith.addf %get3A_6, %get3A_11 : vector<1000x128xf32>
    %get3A_12 = arith.constant 0 : index
    %get3A_13 = arith.constant 0 : index
    %get3A_14 = vector.load %arg3[%get3A_12, %get3A_13] : memref<1000x1xf32, #tpu.memory_space<vmem>>, vector<1000x1xf32>
    %mul3A = vector.broadcast %get3A_14 : vector<1000x1xf32> to vector<1000x128xf32>
    %mul3A_15 = arith.mulf %add3A, %mul3A : vector<1000x128xf32>
    %neg3A = arith.constant 0.000000e+00 : f32
    %neg3A_16 = vector.broadcast %neg3A : f32 to vector<1000x128xf32>
    %neg3A_17 = arith.subf %neg3A_16, %mul3A_15 : vector<1000x128xf32>
    %get3A_18 = arith.constant 0 : index
    %get3A_19 = arith.constant 0 : index
    %get3A_20 = vector.load %arg4[%get3A_18, %get3A_19] : memref<256x128xf32, #tpu.memory_space<vmem>>, vector<128x128xf32>
    %dot_general3A = arith.constant dense<0.000000e+00> : vector<1000x128xf32>
    %dot_general3A_21 = tpu.matmul %get3A_1, %get3A_20, %dot_general3A {dimension_numbers = #tpu.dot_dimension_numbers<[1], [0], [0], [1], [0, 0, 1, 1], [], []>, transpose_lhs_hint = false} : vector<1000x128xf32>, vector<128x128xf32>, vector<1000x128xf32> -> vector<1000x128xf32>
    %get3A_22 = arith.constant 128 : index
    %get3A_23 = arith.constant 0 : index
    %get3A_24 = vector.load %arg4[%get3A_22, %get3A_23] : memref<256x128xf32, #tpu.memory_space<vmem>>, vector<128x128xf32>
    %dot_general3A_25 = arith.constant dense<0.000000e+00> : vector<1000x128xf32>
    %dot_general3A_26 = tpu.matmul %neg3A_17, %get3A_24, %dot_general3A_25 {dimension_numbers = #tpu.dot_dimension_numbers<[1], [0], [0], [1], [0, 0, 1, 1], [], []>, transpose_lhs_hint = false} : vector<1000x128xf32>, vector<128x128xf32>, vector<1000x128xf32> -> vector<1000x128xf32>
    %add3A_27 = arith.addf %dot_general3A_21, %dot_general3A_26 : vector<1000x128xf32>
    %get3A_28 = arith.constant 0 : index
    %get3A_29 = arith.constant 0 : index
    %get3A_30 = vector.load %arg5[%get3A_28, %get3A_29] : memref<1x128xf32, #tpu.memory_space<vmem>>, vector<1x128xf32>
    %add3A_31 = vector.broadcast %get3A_30 : vector<1x128xf32> to vector<1000x128xf32>
    %add3A_32 = arith.addf %add3A_27, %add3A_31 : vector<1000x128xf32>
    %max3A = arith.constant 0.000000e+00 : f32
    %max3A_33 = vector.broadcast %max3A : f32 to vector<1000x128xf32>
    %max3A_34 = arith.maximumf %add3A_32, %max3A_33 : vector<1000x128xf32>
    %add3A_35 = arith.addf %max3A_34, %get3A_1 : vector<1000x128xf32>
    %get3A_36 = arith.constant 0 : index
    %get3A_37 = arith.constant 0 : index
    %get3A_38 = vector.load %arg6[%get3A_36, %get3A_37] : memref<128x128xf32, #tpu.memory_space<vmem>>, vector<128x128xf32>
    %dot_general3A_39 = arith.constant dense<0.000000e+00> : vector<1000x128xf32>
    %dot_general3A_40 = tpu.matmul %add3A_35, %get3A_38, %dot_general3A_39 {dimension_numbers = #tpu.dot_dimension_numbers<[1], [0], [0], [1], [0, 0, 1, 1], [], []>, transpose_lhs_hint = false} : vector<1000x128xf32>, vector<128x128xf32>, vector<1000x128xf32> -> vector<1000x128xf32>
    %get3A_41 = arith.constant 0 : index
    %get3A_42 = arith.constant 0 : index
    %get3A_43 = vector.load %arg7[%get3A_41, %get3A_42] : memref<1x128xf32, #tpu.memory_space<vmem>>, vector<1x128xf32>
    %add3A_44 = vector.broadcast %get3A_43 : vector<1x128xf32> to vector<1000x128xf32>
    %add3A_45 = arith.addf %dot_general3A_40, %add3A_44 : vector<1000x128xf32>
    %max3A_46 = arith.constant 0.000000e+00 : f32
    %max3A_47 = vector.broadcast %max3A_46 : f32 to vector<1000x128xf32>
    %max3A_48 = arith.maximumf %add3A_45, %max3A_47 : vector<1000x128xf32>
    %get3A_49 = arith.constant 0 : index
    %get3A_50 = arith.constant 0 : index
    %get3A_51 = vector.load %arg8[%get3A_49, %get3A_50] : memref<128x128xf32, #tpu.memory_space<vmem>>, vector<128x128xf32>
    %dot_general3A_52 = arith.constant dense<0.000000e+00> : vector<1000x128xf32>
    %dot_general3A_53 = tpu.matmul %max3A_48, %get3A_51, %dot_general3A_52 {dimension_numbers = #tpu.dot_dimension_numbers<[1], [0], [0], [1], [0, 0, 1, 1], [], []>, transpose_lhs_hint = false} : vector<1000x128xf32>, vector<128x128xf32>, vector<1000x128xf32> -> vector<1000x128xf32>
    %get3A_54 = arith.constant 0 : index
    %get3A_55 = arith.constant 0 : index
    %get3A_56 = vector.load %arg9[%get3A_54, %get3A_55] : memref<1x128xf32, #tpu.memory_space<vmem>>, vector<1x128xf32>
    %add3A_57 = vector.broadcast %get3A_56 : vector<1x128xf32> to vector<1000x128xf32>
    %add3A_58 = arith.addf %dot_general3A_53, %add3A_57 : vector<1000x128xf32>
    %swap3A = arith.constant 0 : index
    %swap3A_59 = arith.constant 0 : index
    %swap3A_60 = vector.load %arg10[%swap3A, %swap3A_59] : memref<1000x128xf32, #tpu.memory_space<vmem>>, vector<1000x128xf32>
    tpu.vector_store %arg10[%swap3A, %swap3A_59], %add3A_58 {strides = array<i32>} : memref<1000x128xf32, #tpu.memory_space<vmem>>, vector<1000x128xf32>,
    return
  }
  func.func @transform_0(%arg0: i32) -> (i32, i32) {
    %c0_i32 = arith.constant 0 : i32
    %c0_i32_0 = arith.constant 0 : i32
    return %arg0, %c0_i32 : i32, i32
  }
  func.func @transform_1(%arg0: i32) -> (i32, i32, i32) {
    %c0_i32 = arith.constant 0 : i32
    %c0_i32_0 = arith.constant 0 : i32
    %c0_i32_1 = arith.constant 0 : i32
    return %c0_i32, %arg0, %c0_i32_0 : i32, i32, i32
  }
  func.func @transform_2(%arg0: i32) -> (i32, i32) {
    %c0_i32 = arith.constant 0 : i32
    %c0_i32_0 = arith.constant 0 : i32
    return %arg0, %c0_i32 : i32, i32
  }
  func.func @transform_3(%arg0: i32) -> (i32, i32) {
    %c0_i32 = arith.constant 0 : i32
    %c0_i32_0 = arith.constant 0 : i32
    %c0_i32_1 = arith.constant 0 : i32
    return %c0_i32, %c0_i32_0 : i32, i32
  }
  func.func @transform_4(%arg0: i32) -> (i32, i32) {
    %c0_i32 = arith.constant 0 : i32
    %c0_i32_0 = arith.constant 0 : i32
    %c0_i32_1 = arith.constant 0 : i32
    return %c0_i32, %c0_i32_0 : i32, i32
  }
  func.func @transform_5(%arg0: i32) -> (i32, i32) {
    %c0_i32 = arith.constant 0 : i32
    %c0_i32_0 = arith.constant 0 : i32
    %c0_i32_1 = arith.constant 0 : i32
    return %c0_i32, %c0_i32_0 : i32, i32
  }
  func.func @transform_6(%arg0: i32) -> (i32, i32) {
    %c0_i32 = arith.constant 0 : i32
    %c0_i32_0 = arith.constant 0 : i32
    %c0_i32_1 = arith.constant 0 : i32
    return %c0_i32, %c0_i32_0 : i32, i32
  }
  func.func @transform_7(%arg0: i32) -> (i32, i32) {
    %c0_i32 = arith.constant 0 : i32
    %c0_i32_0 = arith.constant 0 : i32
    %c0_i32_1 = arith.constant 0 : i32
    return %c0_i32, %c0_i32_0 : i32, i32
  }
  func.func @transform_8(%arg0: i32) -> (i32, i32) {
    %c0_i32 = arith.constant 0 : i32
    %c0_i32_0 = arith.constant 0 : i32
    %c0_i32_1 = arith.constant 0 : i32
    return %c0_i32, %c0_i32_0 : i32, i32
  }
  func.func @transform_9(%arg0: i32) -> (i32, i32) {
    %c0_i32 = arith.constant 0 : i32
    %c0_i32_0 = arith.constant 0 : i32
    return %arg0, %c0_i32 : i32, i32
  }
}

</mosaic_0001>

<sc_bundles>
// kernel: kernel.11.cloned.1.call-start
scs
__scs_entry_jumppad:
0x0: {  	(pc) =	sbr.rel $0x88, $3  }
0x1: {  	(tag) =	ssettag $0x0;
	lr =	simm.s32 $0x1  }
0x2: {  	[smem:$0x3F95] =	sst lr;
	_ =	strace $0xD0000000  }
0x3: {  	_ = 	snop  }
0x4: {  	_ = 	snop  }
0x5: {  	_ = 	snop  }
0x6: {  	_ = 	snop  }
0x7: {  	_ = 	snop  }
__scs_overlays_trampoline_lowered:
0x8: {  	[smem:$0x3FA4] =	sst s0  }
0x9: {  	[smem:$0x3FA5] =	sst s1  }
0xa: {  	[smem:$0x3FA6] =	sst s2  }
0xb: {  	[smem:$0x3FA7] =	sst s3  }
0xc: {  	[smem:$0x3FA8] =	sst s4  }
0xd: {  	[smem:$0x3FA9] =	sst s5  }
0xe: {  	[smem:$0x3FAA] =	sst s6  }
0xf: {  	[smem:$0x3FAB] =	sst s7  }
0x10: {  	[smem:$0x3FAC] =	sst s8  }
0x11: {  	[smem:$0x3FAD] =	sst s9;
	s0 =	simm.s32 @!p0 $0x0  }
0x12: {  	s1 =	sld [smem:$0x3F93];
	s0 =	simm.s32 @p0 $0x1  }
0x13: {  	[smem:$0x3FAE] =	sst s0;
	s0 =	simm.s32 @!p1 $0x0  }
0x14: {  	s2 =	sld [smem:$0x3F92];
	s0 =	simm.s32 @p1 $0x1  }
0x15: {  	[smem:$0x3FAF] =	sst s0;
	s0 =	simm.s32 @!p2 $0x0  }
0x16: {  	s3 =	sld [smem:$0x3FDB];
	s0 =	simm.s32 @p2 $0x1  }
0x17: {  	s4 =	simm.s32 $0x1BF5;
	[smem:$0x3FB1] =	sst s0  }
0x18: {  	s0 =	sld [smem:$0x3F94];
	_ =	swait.ge [sflag:s4], $0x0  }
0x19: {  	s7 =	sld [smem:$0x3F95]  }
0x1a: {  	s8 =	sadd.s32 $0xFFFFE003, lr  }
0x1b: {  	s9 =	sadd.s32 $0xFFFFFEF7, lr;
	s5 =	simm.s32 $0xFFFFFFFF;
	p2 =	slt.u32 s8, $0xFFFFF086  }
0x1c: {  	p1 =	slt.u32 s9, $0xF7A;
	s5 =	simm.s32 @!p2 $0x0  }
0x1d: {  	s5 =	simm.s32 @p1 $0x1;
	p0 =	seq.s32 s7, s2  }
0x1e: {  	s7 =	smul.u32 @!p0 $0xF7A, s2;
	p2 =	seq.s32 @!p0 s5, $0x0  }
0x1f: {  	s9 =	smul.u32 $0xF7A, s1;
	s8 =	simm.s32 @!p0 $0x1BF5;
	p2 =	por !p2, p0  }
0x20: {  	[sflag:s8] =	ssyncset.s32 @!p0 $0xFFFFF086;
	s6 =	sadd.s32 @!p0 s3, s7;
	s7 =	simm.s32 @!p0 $0x108  }
0x21: {  	s3 =	sadd.s32 s3, s9;
	s6 =	sadd.s32 @!p0 $0x88, s6;
	s7 =	simm.s32 @p2 $0x1082  }
0x22: {  	[simem:s7], [sflag:s8] =	dma.local @!p0 [hbm:s6], $0xF7A  }
0x23: {  	s9 =	sor.u32 $0xD0000000, s2;
	s6 =	simm.s32 $0x108;
	_ =	swait.ge @!p0 [sflag:s8], $0x0  }
0x24: {  	s3 =	sadd.s32 $0x88, s3;
	s6 =	simm.s32 @!p1 $0x1082;
	[sflag:s4] =	ssyncset.s32 $0xFFFFF086  }
0x25: {  	[simem:s6], [sflag:s4] =	dma.local [hbm:s3], $0xF7A  }
0x26: {  	[smem:$0x3F95] =	sst s1;
	(tag) =	ssettag s2;
	_ =	strace s9  }
0x27: {  	s1 =	sld [smem:$0x3FA5]  }
0x28: {  	s2 =	sld [smem:$0x3FA6]  }
0x29: {  	s4 =	sld [smem:$0x3FA8]  }
0x2a: {  	p0 =	seq.s32 s5, $0x0;
	s5 =	sld [smem:$0x3FA9]  }
0x2b: {  	s6 =	sld [smem:$0x3FAA]  }
0x2c: {  	s7 =	sld [smem:$0x3FAB]  }
0x2d: {  	s3 =	simm.s32 $0x108;
	s8 =	sld [smem:$0x3FAC]  }
0x2e: {  	s3 =	simm.s32 @!p0 $0x1082;
	s9 =	sld [smem:$0x3FAD]  }
0x2f: {  	lr =	sadd.s32 s0, s3;
	s0 =	sld [smem:$0x3FA4]  }
0x30: {  	s3 =	sld [smem:$0x3FA7]  }
0x31: {  	[smem:$0x3FB0] =	sst s10  }
0x32: {  	s10 =	sld [smem:$0x3FAE];
	_ =	sdelay $0x3  }
0x33: {  	p0 =	seq.s32 s10, $0x1;
	s10 =	sld [smem:$0x3FB0];
	_ =	sdelay $0x3  }
0x34: {  	[smem:$0x3FB0] =	sst s10  }
0x35: {  	s10 =	sld [smem:$0x3FAF];
	_ =	sdelay $0x3  }
0x36: {  	p1 =	seq.s32 s10, $0x1;
	s10 =	sld [smem:$0x3FB0];
	_ =	sdelay $0x3  }
0x37: {  	[smem:$0x3FB0] =	sst s10  }
0x38: {  	s10 =	sld [smem:$0x3FB1]  }
0x39: {  	_ = 	snop;
	(pc) =	sbr.ind lr, $3  }
0x3a: {  	_ = 	snop  }
0x3b: {  	_ = 	snop  }
0x3c: {  	p2 =	seq.s32 s10, $0x1;
	s10 =	sld [smem:$0x3FB0]  }
0x3d: {  	_ =	shalt  }
0x3e: {  	_ =	shalt  }
0x3f: {  	_ =	shalt  }
0x40: {  	_ =	shalt  }
0x41: {  	_ =	shalt  }
0x42: {  	_ =	shalt  }
0x43: {  	_ =	shalt  }
0x44: {  	_ =	shalt  }
0x45: {  	_ =	shalt  }
0x46: {  	_ =	shalt  }
0x47: {  	_ =	shalt  }
0x48: {  	_ =	shalt  }
0x49: {  	_ =	shalt  }
0x4a: {  	_ =	shalt  }
0x4b: {  	_ =	shalt  }
0x4c: {  	_ =	shalt  }
0x4d: {  	_ =	shalt  }
0x4e: {  	_ =	shalt  }
0x4f: {  	_ =	shalt  }
0x50: {  	_ =	shalt  }
0x51: {  	_ =	shalt  }
0x52: {  	_ =	shalt  }
0x53: {  	_ =	shalt  }
0x54: {  	_ =	shalt  }
0x55: {  	_ =	shalt  }
0x56: {  	_ =	shalt  }
0x57: {  	_ =	shalt  }
0x58: {  	_ =	shalt  }
0x59: {  	_ =	shalt  }
0x5a: {  	_ =	shalt  }
0x5b: {  	_ =	shalt  }
0x5c: {  	_ =	shalt  }
0x5d: {  	_ =	shalt  }
0x5e: {  	_ =	shalt  }
0x5f: {  	_ =	shalt  }
0x60: {  	_ =	shalt  }
0x61: {  	_ =	shalt  }
0x62: {  	_ =	shalt  }
0x63: {  	_ =	shalt  }
0x64: {  	_ =	shalt  }
0x65: {  	_ =	shalt  }
0x66: {  	_ =	shalt  }
0x67: {  	_ =	shalt  }
0x68: {  	_ =	shalt  }
0x69: {  	_ =	shalt  }
0x6a: {  	_ =	shalt  }
0x6b: {  	_ =	shalt  }
0x6c: {  	_ =	shalt  }
0x6d: {  	_ =	shalt  }
0x6e: {  	_ =	shalt  }
0x6f: {  	_ =	shalt  }
0x70: {  	_ =	shalt  }
0x71: {  	_ =	shalt  }
0x72: {  	_ =	shalt  }
0x73: {  	_ =	shalt  }
0x74: {  	_ =	shalt  }
0x75: {  	_ =	shalt  }
0x76: {  	_ =	shalt  }
0x77: {  	_ =	shalt  }
0x78: {  	_ =	shalt  }
0x79: {  	_ =	shalt  }
0x7a: {  	_ =	shalt  }
0x7b: {  	_ =	shalt  }
0x7c: {  	_ =	shalt  }
0x7d: {  	_ =	shalt  }
0x7e: {  	_ =	shalt  }
0x7f: {  	_ =	shalt  }
0x80: {  	_ =	shalt  }
0x81: {  	_ =	shalt  }
0x82: {  	_ =	shalt  }
0x83: {  	_ =	shalt  }
0x84: {  	_ =	shalt  }
0x85: {  	_ =	shalt  }
0x86: {  	_ =	shalt  }
0x87: {  	_ =	shalt  }
.Lfunc_end0:
.L_simem_size_0:
called_computation.1_lowered:
.L_overlay_start_0:
0x88: {  	s2 =	sld [smem:$0x3FD9]  }
0x89: {  	s3 =	sld [smem:$0x3FFE];
	_ =	sdelay $0x1  }
0x8a: {  	s1 =	srdreg.scid  }
0x8b: {  	s0 =	sand.u32 $0x1, s1  }
0x8c: {  	s17 =	sshll.u32 s0, $0xA;
	s2 =	sadd.s32 s3, s2  }
0x8d: {  	s2 =	sadd.s32 s2, s17  }
0x8e: {  	[smem:$0x3FBC] =	sst s2  }
0x8f: {  	_ = 	snop  }
0x90: {  	s2 =	sld [smem:$0x3FD0];
	(tm) =	ssettm $0x1  }
0x91: {  	s18 =	sld [smem:$0x3FFB];
	_ =	sdelay $0x3  }
0x92: {  	_ =	strace s18  }
0x93: {  	s3 =	sld [smem:$0x3FFC];
	_ =	sdelay $0x3  }
0x94: {  	_ =	strace s3  }
0x95: {  	s3 =	sld [smem:$0x3FFD];
	_ =	sdelay $0x3  }
0x96: {  	_ =	strace s3  }
0x97: {  	_ =	strace $0x8FFFFFFF  }
0x98: {  	s19 =	sld [smem:$0x3FDB];
	_ =	sdelay $0x1  }
0x99: {  	s4 =	simm.s32 $_scs_section_size  }
0x9a: {  	s5 =	simm.s32 $_size__tile_overlayer_lowered;
	s6 =	simm.s32 $_tile_overlayer_lowered  }
0x9b: {  	s22 =	simm.s32 $0x1BFF;
	s21 =	sshll.u32 s6, $0x1;
	s3 =	sadd.s32 s4, s19  }
0x9c: {  	s7 =	simm.s32 $0x0;
	s20 =	sshll.u32 s5, $0x1;
	s5 =	sadd.s32 s21, s3  }
0x9d: {  	[timem:s7], [sflag:s22] =	dma.local [hbm:s5], s20  }
0x9e: {  	_ =	swait.ge [sflag:s22], s20  }
0x9f: {  	s4 =	ssub.s32 $0x0, s20;
	[sflag:s22] =	ssyncset.done $0x0  }
0xa0: {  	[sflag:s22] =	ssyncadd.s32 s4;
	_ =	sdelay $0x1  }
0xa1: {  	s23 =	simm.s32 $0x1B8B  }
0xa2: {  	_ =	swait.ge [sflag:s23], $0x1  }
0xa3: {  	[sflag:s23] =	ssyncset.done $0x0  }
0xa4: {  	s25 =	simm.s32 $0x1B8E;
	s24 =	sld [smem:$0x3FFE];
	[sflag:s23] =	ssyncadd.s32 $0xFFFFFFFF  }
0xa5: {  	s26 =	simm.s32 $execute0_lowered;
	[smem:$0x3FD2] =	sst s25  }
0xa6: {  	s5 =	sshll.u32 s26, $0x1;
	_ =	strace $0x80000049;
	[dreg:$0x1] =	wrdreg $0xFFFFFFFF  }
0xa7: {  	s28 =	simm.s32 $_size_execute0_lowered;
	s3 =	sadd.s32 s3, s5;
	[dreg:$0x0] =	wrdreg $0x0  }
0xa8: {  	s5 =	sshll.u32 s28, $0x1;
	[dreg:$0x2] =	wrdreg s3  }
0xa9: {  	[dreg:$0x3] =	wrdreg s5  }
0xaa: {  	[dreg:$0x4] =	wrdreg $0xC0  }
0xab: {  	_ =	task [dreg:s7], $0x5FFFF  }
0xac: {  	[dreg:$0x1] =	wrdreg $0xFFFFFFFF  }
0xad: {  	[dreg:$0x0] =	wrdreg $0x60  }
0xae: {  	[dreg:$0x2] =	wrdreg s2  }
0xaf: {  	[dreg:$0x3] =	wrdreg s24  }
0xb0: {  	[dreg:$0x4] =	wrdreg $0xA8000  }
0xb1: {  	[dreg:$0x5] =	wrdreg $0x9  }
0xb2: {  	_ =	task.clear_ibuf [dreg:s7], $0x6FFFF;
	_ =	strace $0x90000049  }
0xb3: {  	s29 =	simm.s32 $0x9;
	_ =	strace $0x8000004B  }
0xb4: {  	_ =	swait.ge [sflag:s29], $0x1  }
0xb5: {  	[sflag:s29] =	ssyncadd.s32 $0xFFFFFFFF  }
0xb6: {  	_ =	strace $0x9000004B  }
0xb7: {  	_ =	sfence  }
0xb8: {  	s30 =	sld [smem:$0x0];
	_ =	sdelay $0x2  }
0xb9: {  	s31 =	sshll.u32 s1, $0xD;
	s1 =	sshrl.u32 s1, $0x2  }
0xba: {  	s3 =	sand.u32 $0x4000, s31;
	s1 =	sadd.s32 s1, s30  }
0xbb: {  	s0 =	sor.u32 s3, s0;
	s1 =	sshll.u32 s1, $0x11  }
0xbc: {  	s0 =	sor.u32 s1, s0  }
0xbd: {  	s0 =	sadd.s32 $0x8F2B, s0  }
0xbe: {  	[sflag:s0] =	ssyncadd.remote.s32 $0x1  }
0xbf: {  	_ =	sfence.sel $0xFFFF  }
0xc0: {  	[dreg:$0x0] =	wrdreg $0xFFFFFFFF;
	(pc) =	sbr.abs _section_cstart, $3  }
0xc1: {  	[dreg:$0x1] =	wrdreg $0xFFFFFFFF  }
0xc2: {  	_ =	task.clear_ibuf [dreg:s7], $0x2FFFF;
	_ =	strace $0x9FFFFFFF  }
0xc3: {  	(tm) =	ssettm $0x7FFFFFFF  }
tec
execute0_lowered:
.L_overlay_start_1:
0x0: {  	(tag) =	ssettag $0x1  }
0x1: {  	s2 =	rddreg [dreg:$0x0]  }
0x2: {  	s5 =	rddreg [dreg:$0x1]  }
0x3: {  	s3 =	rddreg [dreg:$0x2]  }
0x4: {  	s0 =	rddreg [dreg:$0x3]  }
0x5: {  	s1 =	stileid.u32;
	s6 =	srdreg.scid  }
0x6: {  	s4 =	simm.s32 $0x0;
	s15 =	simm.s32 $0x1400;
	s16 =	simm.s32 $0x7D  }
0x7: {  	s17 =	simm.s32 $0x2800;
	s18 =	simm.s32 $0x1;
	s19 =	simm.s32 $0x6800  }
0x8: {  	s20 =	simm.s32 $0x2;
	s21 =	simm.s32 $0x1380;
	s22 =	simm.s32 $0x2700  }
0x9: {  	s23 =	simm.s32 $0x2780;
	s24 =	simm.s32 $0x0;
	s7 =	smul.u32 $0x14000, s1  }
0xa: {  	s6 =	sand.u32 $0x1, s6;
	[smem:$0x7FF] =	sst s4;
	s11 =	sadd.s32 $0xD200, s5  }
0xb: {  	s12 =	sadd.s32 $0x2A00, s5;
	s10 =	sshll.u32 s1, $0x1;
	s13 =	smul.u32 $0x50000, s1  }
0xc: {  	s31 =	sshll.u32 s1, $0x6;
	s8 =	smul.u32 $0x140000, s6;
	_ =	strace $0x8000004A  }
0xd: {  	s28 =	ssub.s32 $0x2, s6;
	s6 =	sor.u32 s6, s10;
	s9 =	sshrl.u32 s7, $0x3  }
0xe: {  	s29 =	sshrl.u32 s28, $0x1;
	s30 =	sshrl.u32 s13, $0x2;
	s10 =	smul.u32 $0x2800, s6  }
0xf: {  	s6 =	sor.u32 $0x1C03, s31;
	s7 =	sadd.s32 s7, s8;
	s26 =	sadd.s32 s9, s5  }
0x10: {  	s9 =	ssub.s32 s28, s29;
	s13 =	sadd.s32 s30, s3;
	s7 =	sshrl.u32 s7, $0x3  }
0x11: {  	s10 =	sshrl.u32 s10, $0x3;
	s8 =	smax.u32 s9, $0x1;
	s13 =	sshrl.u32 s13, $0x3  }
0x12: {  	s7 =	sadd.s32 s7, s5;
	s5 =	sadd.s32 $0x17200, s26;
	s9 =	sadd.s32 s11, s10  }
0x13: {  	s14 =	sadd.s32 $0x280, s10;
	s10 =	sadd.s32 s12, s10;
	s7 =	sadd.s32 $0x3F200, s7  }
0x14: {  	s11 =	sadd.s32 s11, s14;
	s12 =	sadd.s32 s12, s14;
	s14 =	simm.s32 $0x3  }
.LBB2_1:
0x15: {  	[spmem:s13], [sflag:s6] =	dma.local [hbm:s5], $0x2800  }
0x16: {  	_ =	swait.ge [sflag:s14], $0x2800  }
0x17: {  	[sflag:s14] =	ssyncset.done $0x0  }
0x18: {  	[sflag:s14] =	ssyncadd.s32 $0xFFFFD800  }
0x19: {  	[bflag:$0x0] =	sbarrier.arrive $0xFFFF  }
0x1a: {  	[tilespmem:s4], [sflag:$0x3] =	stream.linear.gather [hbm4b:s9+s4], $0x1400, $0x38;
	[tilespmem:$0x1E800] =	vst v63  }
0x1b: {  	_ =	swait.ge [sflag:s14], $0x1400  }
0x1c: {  	[sflag:s14] =	ssyncset.done $0x0  }
0x1d: {  	[sflag:s14] =	ssyncadd.s32 $0xFFFFEC00  }
0x1e: {  	[tilespmem:s15], [sflag:$0x3] =	stream.linear.gather [hbm4b:s10+s4], $0x1400, $0x38;
	[tilespmem:$0x1E800] =	vst v63  }
0x1f: {  	_ =	swait.ge [sflag:s14], $0x1400  }
0x20: {  	[sflag:s14] =	ssyncset.done $0x0  }
0x21: {  	[sflag:s14] =	ssyncadd.s32 $0xFFFFEC00  }
0x22: {  	[tilespmem:s17], [sflag:$0x1] =	stream.indirect.gather [hbm4b:s2+s16], $0x80, s4, s16, $0xb8;
	[tilespmem:$0x1E800] =	vst v63  }
0x23: {  	_ =	swait.ge [sflag:s18], $0x3E80  }
0x24: {  	[sflag:s18] =	ssyncset.done $0x0  }
0x25: {  	s25 =	simm.s32 $0x80;
	[sflag:s18] =	ssyncadd.s32 $0xFFFFC180  }
0x26: {  	[tilespmem:s19], [sflag:$0x2] =	stream.indirect.gather [hbm4b:s2+s16], $0x80, s25, s16, $0xb8;
	[tilespmem:$0x1E800] =	vst v63  }
0x27: {  	s29 =	simm.s32 $0x1400  }
0x28: {  	[spmem:s3] =	stream.indirect.scatter.add.f32 [tilespmem:s17], [sflag:$0x3], $0x80, s29, s16, $0xb8;
	[tilespmem:$0x1E800] =	vst v63  }
0x29: {  	_ =	swait.ge [sflag:s14], $0x3E80  }
0x2a: {  	[sflag:s14] =	ssyncset.done $0x0  }
0x2b: {  	[sflag:s14] =	ssyncadd.s32 $0xFFFFC180  }
0x2c: {  	_ =	swait.ge [sflag:s20], $0x3E80  }
0x2d: {  	[sflag:s20] =	ssyncset.done $0x0  }
0x2e: {  	s30 =	simm.s32 $0x100;
	[sflag:s20] =	ssyncadd.s32 $0xFFFFC180  }
0x2f: {  	[tilespmem:s17], [sflag:$0x1] =	stream.indirect.gather [hbm4b:s2+s16], $0x80, s30, s16, $0xb8;
	[tilespmem:$0x1E800] =	vst v63  }
0x30: {  	s31 =	simm.s32 $0x1480  }
0x31: {  	[spmem:s3] =	stream.indirect.scatter.add.f32 [tilespmem:s19], [sflag:$0x3], $0x80, s31, s16, $0xb8;
	[tilespmem:$0x1E800] =	vst v63  }
0x32: {  	_ =	swait.ge [sflag:s14], $0x3E80  }
0x33: {  	s25 =	simm.s32 $0x400;
	[sflag:s14] =	ssyncset.done $0x0  }
.LBB2_2:
0x34: {  	p0 =	sne.s32 s25, $0x4800  }
0x35: {  	[sflag:s14] =	ssyncadd.s32 $0xFFFFC180;
	s26 =	smov.u32 s25;
	s25 =	sadd.s32 $0x400, s25  }
0x36: {  	_ = 	snop  }
0x37: {  	_ =	swait.ge [sflag:s18], $0x3E80  }
0x38: {  	s26 =	sshra.s32 s26, $0x2;
	[sflag:s18] =	ssyncset.done $0x0  }
0x39: {  	s28 =	sadd.s32 $0x80, s26;
	[sflag:s18] =	ssyncadd.s32 $0xFFFFC180  }
0x3a: {  	[tilespmem:s19], [sflag:$0x2] =	stream.indirect.gather [hbm4b:s2+s16], $0x80, s28, s16, $0xb8;
	[tilespmem:$0x1E800] =	vst v63  }
0x3b: {  	s28 =	sadd.s32 $0x1400, s26  }
0x3c: {  	[spmem:s3] =	stream.indirect.scatter.add.f32 [tilespmem:s17], [sflag:$0x3], $0x80, s28, s16, $0xb8;
	[tilespmem:$0x1E800] =	vst v63  }
0x3d: {  	_ =	swait.ge [sflag:s14], $0x3E80  }
0x3e: {  	[sflag:s14] =	ssyncset.done $0x0  }
0x3f: {  	[sflag:s14] =	ssyncadd.s32 $0xFFFFC180  }
0x40: {  	_ =	swait.ge [sflag:s20], $0x3E80  }
0x41: {  	[sflag:s20] =	ssyncset.done $0x0  }
0x42: {  	s28 =	sadd.s32 $0x100, s26;
	[sflag:s20] =	ssyncadd.s32 $0xFFFFC180  }
0x43: {  	[tilespmem:s17], [sflag:$0x1] =	stream.indirect.gather [hbm4b:s2+s16], $0x80, s28, s16, $0xb8;
	[tilespmem:$0x1E800] =	vst v63  }
.Ltmp0:
0x44: {  	_ = 	snop;
	(pc) =	sbr.rel @p0 .LBB2_2-.Ltmp0, $4  }
0x45: {  	s26 =	sadd.s32 $0x1480, s26  }
0x46: {  	[spmem:s3] =	stream.indirect.scatter.add.f32 [tilespmem:s19], [sflag:$0x3], $0x80, s26, s16, $0xb8;
	[tilespmem:$0x1E800] =	vst v63  }
0x47: {  	_ =	swait.ge [sflag:s14], $0x3E80  }
0x48: {  	[sflag:s14] =	ssyncset.done $0x0  }
0x49: {  	[sflag:s14] =	ssyncadd.s32 $0xFFFFC180  }
0x4a: {  	_ =	swait.ge [sflag:s18], $0x3E80  }
0x4b: {  	[sflag:s18] =	ssyncset.done $0x0  }
0x4c: {  	[sflag:s18] =	ssyncadd.s32 $0xFFFFC180  }
0x4d: {  	[tilespmem:s19], [sflag:$0x2] =	stream.indirect.gather [hbm4b:s2+s16], $0x80, s21, s16, $0xb8;
	[tilespmem:$0x1E800] =	vst v63  }
0x4e: {  	_ = 	snop  }
0x4f: {  	[spmem:s3] =	stream.indirect.scatter.add.f32 [tilespmem:s17], [sflag:$0x3], $0x80, s22, s16, $0xb8;
	[tilespmem:$0x1E800] =	vst v63  }
0x50: {  	_ =	swait.ge [sflag:s14], $0x3E80  }
0x51: {  	[sflag:s14] =	ssyncset.done $0x0  }
0x52: {  	[sflag:s14] =	ssyncadd.s32 $0xFFFFC180  }
0x53: {  	_ =	swait.ge [sflag:s20], $0x3E80  }
0x54: {  	[sflag:s20] =	ssyncset.done $0x0  }
0x55: {  	[sflag:s20] =	ssyncadd.s32 $0xFFFFC180  }
0x56: {  	[spmem:s3] =	stream.indirect.scatter.add.f32 [tilespmem:s19], [sflag:$0x3], $0x80, s23, s16, $0xb8;
	[tilespmem:$0x1E800] =	vst v63  }
0x57: {  	_ =	swait.ge [sflag:s14], $0x3E80  }
0x58: {  	[sflag:s14] =	ssyncset.done $0x0  }
0x59: {  	s25 =	simm.s32 $0x0;
	[sflag:s14] =	ssyncadd.s32 $0xFFFFC180  }
0x5a: {  	[tilespmem:s25], [sflag:$0x3] =	stream.linear.gather [hbm4b:s11+s25], $0x1400, $0x38;
	[tilespmem:$0x1E800] =	vst v63  }
0x5b: {  	_ =	swait.ge [sflag:s14], $0x1400  }
0x5c: {  	[sflag:s14] =	ssyncset.done $0x0  }
0x5d: {  	[sflag:s14] =	ssyncadd.s32 $0xFFFFEC00  }
0x5e: {  	[tilespmem:s15], [sflag:$0x3] =	stream.linear.gather [hbm4b:s12+s25], $0x1400, $0x38;
	[tilespmem:$0x1E800] =	vst v63  }
0x5f: {  	_ =	swait.ge [sflag:s14], $0x1400  }
0x60: {  	[sflag:s14] =	ssyncset.done $0x0  }
0x61: {  	[sflag:s14] =	ssyncadd.s32 $0xFFFFEC00  }
0x62: {  	[tilespmem:s17], [sflag:$0x1] =	stream.indirect.gather [hbm4b:s2+s16], $0x80, s25, s16, $0xb8;
	[tilespmem:$0x1E800] =	vst v63  }
0x63: {  	_ =	swait.ge [sflag:s18], $0x3E80  }
0x64: {  	[sflag:s18] =	ssyncset.done $0x0  }
0x65: {  	s28 =	simm.s32 $0x80;
	[sflag:s18] =	ssyncadd.s32 $0xFFFFC180  }
0x66: {  	[tilespmem:s19], [sflag:$0x2] =	stream.indirect.gather [hbm4b:s2+s16], $0x80, s28, s16, $0xb8;
	[tilespmem:$0x1E800] =	vst v63  }
0x67: {  	s29 =	simm.s32 $0x1400  }
0x68: {  	[spmem:s3] =	stream.indirect.scatter.add.f32 [tilespmem:s17], [sflag:$0x3], $0x80, s29, s16, $0xb8;
	[tilespmem:$0x1E800] =	vst v63  }
0x69: {  	_ =	swait.ge [sflag:s14], $0x3E80  }
0x6a: {  	[sflag:s14] =	ssyncset.done $0x0  }
0x6b: {  	[sflag:s14] =	ssyncadd.s32 $0xFFFFC180  }
0x6c: {  	_ =	swait.ge [sflag:s20], $0x3E80  }
0x6d: {  	[sflag:s20] =	ssyncset.done $0x0  }
0x6e: {  	s30 =	simm.s32 $0x100;
	[sflag:s20] =	ssyncadd.s32 $0xFFFFC180  }
0x6f: {  	[tilespmem:s17], [sflag:$0x1] =	stream.indirect.gather [hbm4b:s2+s16], $0x80, s30, s16, $0xb8;
	[tilespmem:$0x1E800] =	vst v63  }
0x70: {  	s31 =	simm.s32 $0x1480  }
0x71: {  	[spmem:s3] =	stream.indirect.scatter.add.f32 [tilespmem:s19], [sflag:$0x3], $0x80, s31, s16, $0xb8;
	[tilespmem:$0x1E800] =	vst v63  }
0x72: {  	_ =	swait.ge [sflag:s14], $0x3E80  }
0x73: {  	s25 =	simm.s32 $0x400;
	[sflag:s14] =	ssyncset.done $0x0  }
.LBB2_4:
0x74: {  	p0 =	sne.s32 s25, $0x4800  }
0x75: {  	[sflag:s14] =	ssyncadd.s32 $0xFFFFC180;
	s26 =	smov.u32 s25;
	s25 =	sadd.s32 $0x400, s25  }
0x76: {  	_ = 	snop  }
0x77: {  	_ =	swait.ge [sflag:s18], $0x3E80  }
0x78: {  	s26 =	sshra.s32 s26, $0x2;
	[sflag:s18] =	ssyncset.done $0x0  }
0x79: {  	s28 =	sadd.s32 $0x80, s26;
	[sflag:s18] =	ssyncadd.s32 $0xFFFFC180  }
0x7a: {  	[tilespmem:s19], [sflag:$0x2] =	stream.indirect.gather [hbm4b:s2+s16], $0x80, s28, s16, $0xb8;
	[tilespmem:$0x1E800] =	vst v63  }
0x7b: {  	s28 =	sadd.s32 $0x1400, s26  }
0x7c: {  	[spmem:s3] =	stream.indirect.scatter.add.f32 [tilespmem:s17], [sflag:$0x3], $0x80, s28, s16, $0xb8;
	[tilespmem:$0x1E800] =	vst v63  }
0x7d: {  	_ =	swait.ge [sflag:s14], $0x3E80  }
0x7e: {  	[sflag:s14] =	ssyncset.done $0x0  }
0x7f: {  	[sflag:s14] =	ssyncadd.s32 $0xFFFFC180  }
0x80: {  	_ =	swait.ge [sflag:s20], $0x3E80  }
0x81: {  	[sflag:s20] =	ssyncset.done $0x0  }
0x82: {  	s28 =	sadd.s32 $0x100, s26;
	[sflag:s20] =	ssyncadd.s32 $0xFFFFC180  }
0x83: {  	[tilespmem:s17], [sflag:$0x1] =	stream.indirect.gather [hbm4b:s2+s16], $0x80, s28, s16, $0xb8;
	[tilespmem:$0x1E800] =	vst v63  }
.Ltmp1:
0x84: {  	_ = 	snop;
	(pc) =	sbr.rel @p0 .LBB2_4-.Ltmp1, $4  }
0x85: {  	s26 =	sadd.s32 $0x1480, s26  }
0x86: {  	[spmem:s3] =	stream.indirect.scatter.add.f32 [tilespmem:s19], [sflag:$0x3], $0x80, s26, s16, $0xb8;
	[tilespmem:$0x1E800] =	vst v63  }
0x87: {  	_ =	swait.ge [sflag:s14], $0x3E80  }
0x88: {  	[sflag:s14] =	ssyncset.done $0x0  }
0x89: {  	[sflag:s14] =	ssyncadd.s32 $0xFFFFC180  }
0x8a: {  	_ =	swait.ge [sflag:s18], $0x3E80  }
0x8b: {  	[sflag:s18] =	ssyncset.done $0x0  }
0x8c: {  	[sflag:s18] =	ssyncadd.s32 $0xFFFFC180  }
0x8d: {  	[tilespmem:s19], [sflag:$0x2] =	stream.indirect.gather [hbm4b:s2+s16], $0x80, s21, s16, $0xb8;
	[tilespmem:$0x1E800] =	vst v63  }
0x8e: {  	_ = 	snop  }
0x8f: {  	[spmem:s3] =	stream.indirect.scatter.add.f32 [tilespmem:s17], [sflag:$0x3], $0x80, s22, s16, $0xb8;
	[tilespmem:$0x1E800] =	vst v63  }
0x90: {  	_ =	swait.ge [sflag:s14], $0x3E80  }
0x91: {  	[sflag:s14] =	ssyncset.done $0x0  }
0x92: {  	[sflag:s14] =	ssyncadd.s32 $0xFFFFC180  }
0x93: {  	_ =	swait.ge [sflag:s20], $0x3E80  }
0x94: {  	[sflag:s20] =	ssyncset.done $0x0  }
0x95: {  	[sflag:s20] =	ssyncadd.s32 $0xFFFFC180  }
0x96: {  	[spmem:s3] =	stream.indirect.scatter.add.f32 [tilespmem:s19], [sflag:$0x3], $0x80, s23, s16, $0xb8;
	[tilespmem:$0x1E800] =	vst v63  }
0x97: {  	_ =	swait.ge [sflag:s14], $0x3E80  }
0x98: {  	s24 =	sadd.s32 $0x1, s24;
	[sflag:s14] =	ssyncset.done $0x0  }
0x99: {  	p0 =	sne.s32 s24, s8;
	[sflag:s14] =	ssyncadd.s32 $0xFFFFC180  }
.Ltmp2:
0x9a: {  	[bflag:$0x0] =	sbarrier.arrive $0xFFFF;
	(pc) =	sbr.rel @p0 .LBB2_1-.Ltmp2, $4  }
0x9b: {  	[hbm:s7], [sflag:s6] =	dma.local [spmem:s13], $0x2800  }
0x9c: {  	_ =	swait.ge [sflag:s14], $0x2800  }
0x9d: {  	[sflag:s14] =	ssyncset.done $0x0  }
0x9e: {  	[sflag:s14] =	ssyncadd.s32 $0xFFFFD800  }
0x9f: {  	_ =	sfence.sel $0x180000  }
0xa0: {  	[bflag:$0x0] =	sbarrier.arrive $0xFFFF  }
0xa1: {  	p0 =	sne.s32 s1, $0x0;
	_ =	strace $0x9000004A  }
0xa2: {  	s0 =	sadd.s32 @!p0 $0x100000, s0;
	[bflag:$0x2] =	sbarrier.arrive $0xFFFF  }
0xa3: {  	[sflag:s0] =	ssyncadd.tile.s32 @!p0 $0x1;
	_ =	shalt  }
.Lfunc_end2:
_tile_overlayer_lowered:
.L_overlay_start_2:
0xa4: {  	(tag) =	ssettag $0x2  }
0xa5: {  	s0 =	rddreg [dreg:$0x0];
	s2 =	stileid.u32  }
0xa6: {  	s1 =	rddreg [dreg:$0x1];
	p0 =	sne.s32 s2, $0x0  }
0xa7: {  	s3 =	rddreg [dreg:$0x2];
	[bflag:$0x3] =	sbarrier.arrive $0xFFFF;
	s2 =	simm.s32 @!p0 $0x1C03  }
0xa8: {  	[timem:s3], [sflag:s2] =	dma.local @!p0 [hbm:s0], s1  }
0xa9: {  	s0 =	simm.s32 @!p0 $0x3  }
0xaa: {  	_ =	swait.ge @!p0 [sflag:s0], s1  }
0xab: {  	s1 =	ssub.s32 @!p0 $0x0, s1;
	[sflag:s0] =	ssyncset.done @!p0 $0x0  }
0xac: {  	[sflag:s0] =	ssyncadd.s32 @!p0 s1  }
0xad: {  	[bflag:$0x3] =	sbarrier.arrive $0xFFFF  }
0xae: {  	_ =	shalt  }

// kernel: kernel.14.cloned.1.call-start
scs
__scs_entry_jumppad:
0x0: {  	(pc) =	sbr.rel $0x88, $3  }
0x1: {  	(tag) =	ssettag $0x0;
	lr =	simm.s32 $0x1  }
0x2: {  	[smem:$0x3F95] =	sst lr;
	_ =	strace $0xD0000000  }
0x3: {  	_ = 	snop  }
0x4: {  	_ = 	snop  }
0x5: {  	_ = 	snop  }
0x6: {  	_ = 	snop  }
0x7: {  	_ = 	snop  }
__scs_overlays_trampoline_lowered:
0x8: {  	[smem:$0x3FA4] =	sst s0  }
0x9: {  	[smem:$0x3FA5] =	sst s1  }
0xa: {  	[smem:$0x3FA6] =	sst s2  }
0xb: {  	[smem:$0x3FA7] =	sst s3  }
0xc: {  	[smem:$0x3FA8] =	sst s4  }
0xd: {  	[smem:$0x3FA9] =	sst s5  }
0xe: {  	[smem:$0x3FAA] =	sst s6  }
0xf: {  	[smem:$0x3FAB] =	sst s7  }
0x10: {  	[smem:$0x3FAC] =	sst s8  }
0x11: {  	[smem:$0x3FAD] =	sst s9;
	s0 =	simm.s32 @!p0 $0x0  }
0x12: {  	s1 =	sld [smem:$0x3F93];
	s0 =	simm.s32 @p0 $0x1  }
0x13: {  	[smem:$0x3FAE] =	sst s0;
	s0 =	simm.s32 @!p1 $0x0  }
0x14: {  	s2 =	sld [smem:$0x3F92];
	s0 =	simm.s32 @p1 $0x1  }
0x15: {  	[smem:$0x3FAF] =	sst s0;
	s0 =	simm.s32 @!p2 $0x0  }
0x16: {  	s3 =	sld [smem:$0x3FDB];
	s0 =	simm.s32 @p2 $0x1  }
0x17: {  	s4 =	simm.s32 $0x1BF5;
	[smem:$0x3FB1] =	sst s0  }
0x18: {  	s0 =	sld [smem:$0x3F94];
	_ =	swait.ge [sflag:s4], $0x0  }
0x19: {  	s7 =	sld [smem:$0x3F95]  }
0x1a: {  	s8 =	sadd.s32 $0xFFFFE003, lr  }
0x1b: {  	s9 =	sadd.s32 $0xFFFFFEF7, lr;
	s5 =	simm.s32 $0xFFFFFFFF;
	p2 =	slt.u32 s8, $0xFFFFF086  }
0x1c: {  	p1 =	slt.u32 s9, $0xF7A;
	s5 =	simm.s32 @!p2 $0x0  }
0x1d: {  	s5 =	simm.s32 @p1 $0x1;
	p0 =	seq.s32 s7, s2  }
0x1e: {  	s7 =	smul.u32 @!p0 $0xF7A, s2;
	p2 =	seq.s32 @!p0 s5, $0x0  }
0x1f: {  	s9 =	smul.u32 $0xF7A, s1;
	s8 =	simm.s32 @!p0 $0x1BF5;
	p2 =	por !p2, p0  }
0x20: {  	[sflag:s8] =	ssyncset.s32 @!p0 $0xFFFFF086;
	s6 =	sadd.s32 @!p0 s3, s7;
	s7 =	simm.s32 @!p0 $0x108  }
0x21: {  	s3 =	sadd.s32 s3, s9;
	s6 =	sadd.s32 @!p0 $0x88, s6;
	s7 =	simm.s32 @p2 $0x1082  }
0x22: {  	[simem:s7], [sflag:s8] =	dma.local @!p0 [hbm:s6], $0xF7A  }
0x23: {  	s9 =	sor.u32 $0xD0000000, s2;
	s6 =	simm.s32 $0x108;
	_ =	swait.ge @!p0 [sflag:s8], $0x0  }
0x24: {  	s3 =	sadd.s32 $0x88, s3;
	s6 =	simm.s32 @!p1 $0x1082;
	[sflag:s4] =	ssyncset.s32 $0xFFFFF086  }
0x25: {  	[simem:s6], [sflag:s4] =	dma.local [hbm:s3], $0xF7A  }
0x26: {  	[smem:$0x3F95] =	sst s1;
	(tag) =	ssettag s2;
	_ =	strace s9  }
0x27: {  	s1 =	sld [smem:$0x3FA5]  }
0x28: {  	s2 =	sld [smem:$0x3FA6]  }
0x29: {  	s4 =	sld [smem:$0x3FA8]  }
0x2a: {  	p0 =	seq.s32 s5, $0x0;
	s5 =	sld [smem:$0x3FA9]  }
0x2b: {  	s6 =	sld [smem:$0x3FAA]  }
0x2c: {  	s7 =	sld [smem:$0x3FAB]  }
0x2d: {  	s3 =	simm.s32 $0x108;
	s8 =	sld [smem:$0x3FAC]  }
0x2e: {  	s3 =	simm.s32 @!p0 $0x1082;
	s9 =	sld [smem:$0x3FAD]  }
0x2f: {  	lr =	sadd.s32 s0, s3;
	s0 =	sld [smem:$0x3FA4]  }
0x30: {  	s3 =	sld [smem:$0x3FA7]  }
0x31: {  	[smem:$0x3FB0] =	sst s10  }
0x32: {  	s10 =	sld [smem:$0x3FAE];
	_ =	sdelay $0x3  }
0x33: {  	p0 =	seq.s32 s10, $0x1;
	s10 =	sld [smem:$0x3FB0];
	_ =	sdelay $0x3  }
0x34: {  	[smem:$0x3FB0] =	sst s10  }
0x35: {  	s10 =	sld [smem:$0x3FAF];
	_ =	sdelay $0x3  }
0x36: {  	p1 =	seq.s32 s10, $0x1;
	s10 =	sld [smem:$0x3FB0];
	_ =	sdelay $0x3  }
0x37: {  	[smem:$0x3FB0] =	sst s10  }
0x38: {  	s10 =	sld [smem:$0x3FB1]  }
0x39: {  	_ = 	snop;
	(pc) =	sbr.ind lr, $3  }
0x3a: {  	_ = 	snop  }
0x3b: {  	_ = 	snop  }
0x3c: {  	p2 =	seq.s32 s10, $0x1;
	s10 =	sld [smem:$0x3FB0]  }
0x3d: {  	_ =	shalt  }
0x3e: {  	_ =	shalt  }
0x3f: {  	_ =	shalt  }
0x40: {  	_ =	shalt  }
0x41: {  	_ =	shalt  }
0x42: {  	_ =	shalt  }
0x43: {  	_ =	shalt  }
0x44: {  	_ =	shalt  }
0x45: {  	_ =	shalt  }
0x46: {  	_ =	shalt  }
0x47: {  	_ =	shalt  }
0x48: {  	_ =	shalt  }
0x49: {  	_ =	shalt  }
0x4a: {  	_ =	shalt  }
0x4b: {  	_ =	shalt  }
0x4c: {  	_ =	shalt  }
0x4d: {  	_ =	shalt  }
0x4e: {  	_ =	shalt  }
0x4f: {  	_ =	shalt  }
0x50: {  	_ =	shalt  }
0x51: {  	_ =	shalt  }
0x52: {  	_ =	shalt  }
0x53: {  	_ =	shalt  }
0x54: {  	_ =	shalt  }
0x55: {  	_ =	shalt  }
0x56: {  	_ =	shalt  }
0x57: {  	_ =	shalt  }
0x58: {  	_ =	shalt  }
0x59: {  	_ =	shalt  }
0x5a: {  	_ =	shalt  }
0x5b: {  	_ =	shalt  }
0x5c: {  	_ =	shalt  }
0x5d: {  	_ =	shalt  }
0x5e: {  	_ =	shalt  }
0x5f: {  	_ =	shalt  }
0x60: {  	_ =	shalt  }
0x61: {  	_ =	shalt  }
0x62: {  	_ =	shalt  }
0x63: {  	_ =	shalt  }
0x64: {  	_ =	shalt  }
0x65: {  	_ =	shalt  }
0x66: {  	_ =	shalt  }
0x67: {  	_ =	shalt  }
0x68: {  	_ =	shalt  }
0x69: {  	_ =	shalt  }
0x6a: {  	_ =	shalt  }
0x6b: {  	_ =	shalt  }
0x6c: {  	_ =	shalt  }
0x6d: {  	_ =	shalt  }
0x6e: {  	_ =	shalt  }
0x6f: {  	_ =	shalt  }
0x70: {  	_ =	shalt  }
0x71: {  	_ =	shalt  }
0x72: {  	_ =	shalt  }
0x73: {  	_ =	shalt  }
0x74: {  	_ =	shalt  }
0x75: {  	_ =	shalt  }
0x76: {  	_ =	shalt  }
0x77: {  	_ =	shalt  }
0x78: {  	_ =	shalt  }
0x79: {  	_ =	shalt  }
0x7a: {  	_ =	shalt  }
0x7b: {  	_ =	shalt  }
0x7c: {  	_ =	shalt  }
0x7d: {  	_ =	shalt  }
0x7e: {  	_ =	shalt  }
0x7f: {  	_ =	shalt  }
0x80: {  	_ =	shalt  }
0x81: {  	_ =	shalt  }
0x82: {  	_ =	shalt  }
0x83: {  	_ =	shalt  }
0x84: {  	_ =	shalt  }
0x85: {  	_ =	shalt  }
0x86: {  	_ =	shalt  }
0x87: {  	_ =	shalt  }
.Lfunc_end0:
.L_simem_size_0:
called_computation.2_lowered:
.L_overlay_start_0:
0x88: {  	s2 =	sld [smem:$0x3FD9]  }
0x89: {  	s3 =	sld [smem:$0x3FFE];
	_ =	sdelay $0x1  }
0x8a: {  	s1 =	srdreg.scid  }
0x8b: {  	s0 =	sand.u32 $0x1, s1  }
0x8c: {  	s17 =	sshll.u32 s0, $0xA;
	s2 =	sadd.s32 s3, s2  }
0x8d: {  	s2 =	sadd.s32 s2, s17  }
0x8e: {  	[smem:$0x3FBC] =	sst s2  }
0x8f: {  	_ = 	snop  }
0x90: {  	s2 =	sld [smem:$0x3FD0];
	(tm) =	ssettm $0x1  }
0x91: {  	s18 =	sld [smem:$0x3FFB];
	_ =	sdelay $0x3  }
0x92: {  	_ =	strace s18  }
0x93: {  	s3 =	sld [smem:$0x3FFC];
	_ =	sdelay $0x3  }
0x94: {  	_ =	strace s3  }
0x95: {  	s3 =	sld [smem:$0x3FFD];
	_ =	sdelay $0x3  }
0x96: {  	_ =	strace s3  }
0x97: {  	_ =	strace $0x8FFFFFFF  }
0x98: {  	s19 =	sld [smem:$0x3FDB];
	_ =	sdelay $0x1  }
0x99: {  	s4 =	simm.s32 $_scs_section_size  }
0x9a: {  	s5 =	simm.s32 $_size__tile_overlayer_lowered;
	s6 =	simm.s32 $_tile_overlayer_lowered  }
0x9b: {  	s22 =	simm.s32 $0x1BFF;
	s21 =	sshll.u32 s6, $0x1;
	s3 =	sadd.s32 s4, s19  }
0x9c: {  	s7 =	simm.s32 $0x0;
	s20 =	sshll.u32 s5, $0x1;
	s5 =	sadd.s32 s21, s3  }
0x9d: {  	[timem:s7], [sflag:s22] =	dma.local [hbm:s5], s20  }
0x9e: {  	_ =	swait.ge [sflag:s22], s20  }
0x9f: {  	s4 =	ssub.s32 $0x0, s20;
	[sflag:s22] =	ssyncset.done $0x0  }
0xa0: {  	[sflag:s22] =	ssyncadd.s32 s4;
	_ =	sdelay $0x1  }
0xa1: {  	s23 =	simm.s32 $0x1B8B  }
0xa2: {  	_ =	swait.ge [sflag:s23], $0x1  }
0xa3: {  	[sflag:s23] =	ssyncset.done $0x0  }
0xa4: {  	s25 =	simm.s32 $0x1B8E;
	s24 =	sld [smem:$0x3FFE];
	[sflag:s23] =	ssyncadd.s32 $0xFFFFFFFF  }
0xa5: {  	s26 =	simm.s32 $execute0_lowered;
	[smem:$0x3FD2] =	sst s25  }
0xa6: {  	s5 =	sshll.u32 s26, $0x1;
	_ =	strace $0x8000004C;
	[dreg:$0x1] =	wrdreg $0xFFFFFFFF  }
0xa7: {  	s28 =	simm.s32 $_size_execute0_lowered;
	s3 =	sadd.s32 s3, s5;
	[dreg:$0x0] =	wrdreg $0x0  }
0xa8: {  	s5 =	sshll.u32 s28, $0x1;
	[dreg:$0x2] =	wrdreg s3  }
0xa9: {  	[dreg:$0x3] =	wrdreg s5  }
0xaa: {  	[dreg:$0x4] =	wrdreg $0xC0  }
0xab: {  	_ =	task [dreg:s7], $0x5FFFF  }
0xac: {  	[dreg:$0x1] =	wrdreg $0xFFFFFFFF  }
0xad: {  	[dreg:$0x0] =	wrdreg $0x60  }
0xae: {  	[dreg:$0x2] =	wrdreg s2  }
0xaf: {  	[dreg:$0x3] =	wrdreg s24  }
0xb0: {  	[dreg:$0x4] =	wrdreg $0xA8000  }
0xb1: {  	[dreg:$0x5] =	wrdreg $0x9  }
0xb2: {  	_ =	task.clear_ibuf [dreg:s7], $0x6FFFF;
	_ =	strace $0x9000004C  }
0xb3: {  	s29 =	simm.s32 $0x9;
	_ =	strace $0x8000004E  }
0xb4: {  	_ =	swait.ge [sflag:s29], $0x1  }
0xb5: {  	[sflag:s29] =	ssyncadd.s32 $0xFFFFFFFF  }
0xb6: {  	_ =	strace $0x9000004E  }
0xb7: {  	_ =	sfence  }
0xb8: {  	s30 =	sld [smem:$0x0];
	_ =	sdelay $0x2  }
0xb9: {  	s31 =	sshll.u32 s1, $0xD;
	s1 =	sshrl.u32 s1, $0x2  }
0xba: {  	s3 =	sand.u32 $0x4000, s31;
	s1 =	sadd.s32 s1, s30  }
0xbb: {  	s0 =	sor.u32 s3, s0;
	s1 =	sshll.u32 s1, $0x11  }
0xbc: {  	s0 =	sor.u32 s1, s0  }
0xbd: {  	s0 =	sadd.s32 $0x8F2B, s0  }
0xbe: {  	[sflag:s0] =	ssyncadd.remote.s32 $0x1  }
0xbf: {  	_ =	sfence.sel $0xFFFF  }
0xc0: {  	[dreg:$0x0] =	wrdreg $0xFFFFFFFF;
	(pc) =	sbr.abs _section_cstart, $3  }
0xc1: {  	[dreg:$0x1] =	wrdreg $0xFFFFFFFF  }
0xc2: {  	_ =	task.clear_ibuf [dreg:s7], $0x2FFFF;
	_ =	strace $0x9FFFFFFF  }
0xc3: {  	(tm) =	ssettm $0x7FFFFFFF  }
tec
execute0_lowered:
.L_overlay_start_1:
0x0: {  	(tag) =	ssettag $0x1  }
0x1: {  	s2 =	rddreg [dreg:$0x0]  }
0x2: {  	s5 =	rddreg [dreg:$0x1]  }
0x3: {  	s3 =	rddreg [dreg:$0x2]  }
0x4: {  	s0 =	rddreg [dreg:$0x3]  }
0x5: {  	s1 =	stileid.u32;
	s6 =	srdreg.scid  }
0x6: {  	s4 =	simm.s32 $0x0;
	s15 =	simm.s32 $0x1400;
	s16 =	simm.s32 $0x7D  }
0x7: {  	s17 =	simm.s32 $0x2800;
	s18 =	simm.s32 $0x1;
	s19 =	simm.s32 $0x6800  }
0x8: {  	s20 =	simm.s32 $0x2;
	s21 =	simm.s32 $0x1380;
	s22 =	simm.s32 $0x2700  }
0x9: {  	s23 =	simm.s32 $0x2780;
	s24 =	simm.s32 $0x0;
	s7 =	smul.u32 $0x14000, s1  }
0xa: {  	s6 =	sand.u32 $0x1, s6;
	[smem:$0x7FF] =	sst s4;
	s11 =	sadd.s32 $0xD200, s5  }
0xb: {  	s12 =	sadd.s32 $0x2A00, s5;
	s10 =	sshll.u32 s1, $0x1;
	s13 =	smul.u32 $0x50000, s1  }
0xc: {  	s31 =	sshll.u32 s1, $0x6;
	s8 =	smul.u32 $0x140000, s6;
	_ =	strace $0x8000004D  }
0xd: {  	s28 =	ssub.s32 $0x2, s6;
	s6 =	sor.u32 s6, s10;
	s9 =	sshrl.u32 s7, $0x3  }
0xe: {  	s29 =	sshrl.u32 s28, $0x1;
	s30 =	sshrl.u32 s13, $0x2;
	s10 =	smul.u32 $0x2800, s6  }
0xf: {  	s6 =	sor.u32 $0x1C03, s31;
	s7 =	sadd.s32 s7, s8;
	s26 =	sadd.s32 s9, s5  }
0x10: {  	s9 =	ssub.s32 s28, s29;
	s13 =	sadd.s32 s30, s3;
	s7 =	sshrl.u32 s7, $0x3  }
0x11: {  	s10 =	sshrl.u32 s10, $0x3;
	s8 =	smax.u32 s9, $0x1;
	s13 =	sshrl.u32 s13, $0x3  }
0x12: {  	s7 =	sadd.s32 s7, s5;
	s5 =	sadd.s32 $0x17200, s26;
	s9 =	sadd.s32 s11, s10  }
0x13: {  	s14 =	sadd.s32 $0x280, s10;
	s10 =	sadd.s32 s12, s10;
	s7 =	sadd.s32 $0x3F200, s7  }
0x14: {  	s11 =	sadd.s32 s11, s14;
	s12 =	sadd.s32 s12, s14;
	s14 =	simm.s32 $0x3  }
.LBB2_1:
0x15: {  	[spmem:s13], [sflag:s6] =	dma.local [hbm:s5], $0x2800  }
0x16: {  	_ =	swait.ge [sflag:s14], $0x2800  }
0x17: {  	[sflag:s14] =	ssyncset.done $0x0  }
0x18: {  	[sflag:s14] =	ssyncadd.s32 $0xFFFFD800  }
0x19: {  	[bflag:$0x0] =	sbarrier.arrive $0xFFFF  }
0x1a: {  	[tilespmem:s4], [sflag:$0x3] =	stream.linear.gather [hbm4b:s9+s4], $0x1400, $0x38;
	[tilespmem:$0x1E800] =	vst v63  }
0x1b: {  	_ =	swait.ge [sflag:s14], $0x1400  }
0x1c: {  	[sflag:s14] =	ssyncset.done $0x0  }
0x1d: {  	[sflag:s14] =	ssyncadd.s32 $0xFFFFEC00  }
0x1e: {  	[tilespmem:s15], [sflag:$0x3] =	stream.linear.gather [hbm4b:s10+s4], $0x1400, $0x38;
	[tilespmem:$0x1E800] =	vst v63  }
0x1f: {  	_ =	swait.ge [sflag:s14], $0x1400  }
0x20: {  	[sflag:s14] =	ssyncset.done $0x0  }
0x21: {  	[sflag:s14] =	ssyncadd.s32 $0xFFFFEC00  }
0x22: {  	[tilespmem:s17], [sflag:$0x1] =	stream.indirect.gather [hbm4b:s2+s16], $0x80, s4, s16, $0xb8;
	[tilespmem:$0x1E800] =	vst v63  }
0x23: {  	_ =	swait.ge [sflag:s18], $0x3E80  }
0x24: {  	[sflag:s18] =	ssyncset.done $0x0  }
0x25: {  	s25 =	simm.s32 $0x80;
	[sflag:s18] =	ssyncadd.s32 $0xFFFFC180  }
0x26: {  	[tilespmem:s19], [sflag:$0x2] =	stream.indirect.gather [hbm4b:s2+s16], $0x80, s25, s16, $0xb8;
	[tilespmem:$0x1E800] =	vst v63  }
0x27: {  	s29 =	simm.s32 $0x1400  }
0x28: {  	[spmem:s3] =	stream.indirect.scatter.add.f32 [tilespmem:s17], [sflag:$0x3], $0x80, s29, s16, $0xb8;
	[tilespmem:$0x1E800] =	vst v63  }
0x29: {  	_ =	swait.ge [sflag:s14], $0x3E80  }
0x2a: {  	[sflag:s14] =	ssyncset.done $0x0  }
0x2b: {  	[sflag:s14] =	ssyncadd.s32 $0xFFFFC180  }
0x2c: {  	_ =	swait.ge [sflag:s20], $0x3E80  }
0x2d: {  	[sflag:s20] =	ssyncset.done $0x0  }
0x2e: {  	s30 =	simm.s32 $0x100;
	[sflag:s20] =	ssyncadd.s32 $0xFFFFC180  }
0x2f: {  	[tilespmem:s17], [sflag:$0x1] =	stream.indirect.gather [hbm4b:s2+s16], $0x80, s30, s16, $0xb8;
	[tilespmem:$0x1E800] =	vst v63  }
0x30: {  	s31 =	simm.s32 $0x1480  }
0x31: {  	[spmem:s3] =	stream.indirect.scatter.add.f32 [tilespmem:s19], [sflag:$0x3], $0x80, s31, s16, $0xb8;
	[tilespmem:$0x1E800] =	vst v63  }
0x32: {  	_ =	swait.ge [sflag:s14], $0x3E80  }
0x33: {  	s25 =	simm.s32 $0x400;
	[sflag:s14] =	ssyncset.done $0x0  }
.LBB2_2:
0x34: {  	p0 =	sne.s32 s25, $0x4800  }
0x35: {  	[sflag:s14] =	ssyncadd.s32 $0xFFFFC180;
	s26 =	smov.u32 s25;
	s25 =	sadd.s32 $0x400, s25  }
0x36: {  	_ = 	snop  }
0x37: {  	_ =	swait.ge [sflag:s18], $0x3E80  }
0x38: {  	s26 =	sshra.s32 s26, $0x2;
	[sflag:s18] =	ssyncset.done $0x0  }
0x39: {  	s28 =	sadd.s32 $0x80, s26;
	[sflag:s18] =	ssyncadd.s32 $0xFFFFC180  }
0x3a: {  	[tilespmem:s19], [sflag:$0x2] =	stream.indirect.gather [hbm4b:s2+s16], $0x80, s28, s16, $0xb8;
	[tilespmem:$0x1E800] =	vst v63  }
0x3b: {  	s28 =	sadd.s32 $0x1400, s26  }
0x3c: {  	[spmem:s3] =	stream.indirect.scatter.add.f32 [tilespmem:s17], [sflag:$0x3], $0x80, s28, s16, $0xb8;
	[tilespmem:$0x1E800] =	vst v63  }
0x3d: {  	_ =	swait.ge [sflag:s14], $0x3E80  }
0x3e: {  	[sflag:s14] =	ssyncset.done $0x0  }
0x3f: {  	[sflag:s14] =	ssyncadd.s32 $0xFFFFC180  }
0x40: {  	_ =	swait.ge [sflag:s20], $0x3E80  }
0x41: {  	[sflag:s20] =	ssyncset.done $0x0  }
0x42: {  	s28 =	sadd.s32 $0x100, s26;
	[sflag:s20] =	ssyncadd.s32 $0xFFFFC180  }
0x43: {  	[tilespmem:s17], [sflag:$0x1] =	stream.indirect.gather [hbm4b:s2+s16], $0x80, s28, s16, $0xb8;
	[tilespmem:$0x1E800] =	vst v63  }
.Ltmp0:
0x44: {  	_ = 	snop;
	(pc) =	sbr.rel @p0 .LBB2_2-.Ltmp0, $4  }
0x45: {  	s26 =	sadd.s32 $0x1480, s26  }
0x46: {  	[spmem:s3] =	stream.indirect.scatter.add.f32 [tilespmem:s19], [sflag:$0x3], $0x80, s26, s16, $0xb8;
	[tilespmem:$0x1E800] =	vst v63  }
0x47: {  	_ =	swait.ge [sflag:s14], $0x3E80  }
0x48: {  	[sflag:s14] =	ssyncset.done $0x0  }
0x49: {  	[sflag:s14] =	ssyncadd.s32 $0xFFFFC180  }
0x4a: {  	_ =	swait.ge [sflag:s18], $0x3E80  }
0x4b: {  	[sflag:s18] =	ssyncset.done $0x0  }
0x4c: {  	[sflag:s18] =	ssyncadd.s32 $0xFFFFC180  }
0x4d: {  	[tilespmem:s19], [sflag:$0x2] =	stream.indirect.gather [hbm4b:s2+s16], $0x80, s21, s16, $0xb8;
	[tilespmem:$0x1E800] =	vst v63  }
0x4e: {  	_ = 	snop  }
0x4f: {  	[spmem:s3] =	stream.indirect.scatter.add.f32 [tilespmem:s17], [sflag:$0x3], $0x80, s22, s16, $0xb8;
	[tilespmem:$0x1E800] =	vst v63  }
0x50: {  	_ =	swait.ge [sflag:s14], $0x3E80  }
0x51: {  	[sflag:s14] =	ssyncset.done $0x0  }
0x52: {  	[sflag:s14] =	ssyncadd.s32 $0xFFFFC180  }
0x53: {  	_ =	swait.ge [sflag:s20], $0x3E80  }
0x54: {  	[sflag:s20] =	ssyncset.done $0x0  }
0x55: {  	[sflag:s20] =	ssyncadd.s32 $0xFFFFC180  }
0x56: {  	[spmem:s3] =	stream.indirect.scatter.add.f32 [tilespmem:s19], [sflag:$0x3], $0x80, s23, s16, $0xb8;
	[tilespmem:$0x1E800] =	vst v63  }
0x57: {  	_ =	swait.ge [sflag:s14], $0x3E80  }
0x58: {  	[sflag:s14] =	ssyncset.done $0x0  }
0x59: {  	s25 =	simm.s32 $0x0;
	[sflag:s14] =	ssyncadd.s32 $0xFFFFC180  }
0x5a: {  	[tilespmem:s25], [sflag:$0x3] =	stream.linear.gather [hbm4b:s11+s25], $0x1400, $0x38;
	[tilespmem:$0x1E800] =	vst v63  }
0x5b: {  	_ =	swait.ge [sflag:s14], $0x1400  }
0x5c: {  	[sflag:s14] =	ssyncset.done $0x0  }
0x5d: {  	[sflag:s14] =	ssyncadd.s32 $0xFFFFEC00  }
0x5e: {  	[tilespmem:s15], [sflag:$0x3] =	stream.linear.gather [hbm4b:s12+s25], $0x1400, $0x38;
	[tilespmem:$0x1E800] =	vst v63  }
0x5f: {  	_ =	swait.ge [sflag:s14], $0x1400  }
0x60: {  	[sflag:s14] =	ssyncset.done $0x0  }
0x61: {  	[sflag:s14] =	ssyncadd.s32 $0xFFFFEC00  }
0x62: {  	[tilespmem:s17], [sflag:$0x1] =	stream.indirect.gather [hbm4b:s2+s16], $0x80, s25, s16, $0xb8;
	[tilespmem:$0x1E800] =	vst v63  }
0x63: {  	_ =	swait.ge [sflag:s18], $0x3E80  }
0x64: {  	[sflag:s18] =	ssyncset.done $0x0  }
0x65: {  	s28 =	simm.s32 $0x80;
	[sflag:s18] =	ssyncadd.s32 $0xFFFFC180  }
0x66: {  	[tilespmem:s19], [sflag:$0x2] =	stream.indirect.gather [hbm4b:s2+s16], $0x80, s28, s16, $0xb8;
	[tilespmem:$0x1E800] =	vst v63  }
0x67: {  	s29 =	simm.s32 $0x1400  }
0x68: {  	[spmem:s3] =	stream.indirect.scatter.add.f32 [tilespmem:s17], [sflag:$0x3], $0x80, s29, s16, $0xb8;
	[tilespmem:$0x1E800] =	vst v63  }
0x69: {  	_ =	swait.ge [sflag:s14], $0x3E80  }
0x6a: {  	[sflag:s14] =	ssyncset.done $0x0  }
0x6b: {  	[sflag:s14] =	ssyncadd.s32 $0xFFFFC180  }
0x6c: {  	_ =	swait.ge [sflag:s20], $0x3E80  }
0x6d: {  	[sflag:s20] =	ssyncset.done $0x0  }
0x6e: {  	s30 =	simm.s32 $0x100;
	[sflag:s20] =	ssyncadd.s32 $0xFFFFC180  }
0x6f: {  	[tilespmem:s17], [sflag:$0x1] =	stream.indirect.gather [hbm4b:s2+s16], $0x80, s30, s16, $0xb8;
	[tilespmem:$0x1E800] =	vst v63  }
0x70: {  	s31 =	simm.s32 $0x1480  }
0x71: {  	[spmem:s3] =	stream.indirect.scatter.add.f32 [tilespmem:s19], [sflag:$0x3], $0x80, s31, s16, $0xb8;
	[tilespmem:$0x1E800] =	vst v63  }
0x72: {  	_ =	swait.ge [sflag:s14], $0x3E80  }
0x73: {  	s25 =	simm.s32 $0x400;
	[sflag:s14] =	ssyncset.done $0x0  }
.LBB2_4:
0x74: {  	p0 =	sne.s32 s25, $0x4800  }
0x75: {  	[sflag:s14] =	ssyncadd.s32 $0xFFFFC180;
	s26 =	smov.u32 s25;
	s25 =	sadd.s32 $0x400, s25  }
0x76: {  	_ = 	snop  }
0x77: {  	_ =	swait.ge [sflag:s18], $0x3E80  }
0x78: {  	s26 =	sshra.s32 s26, $0x2;
	[sflag:s18] =	ssyncset.done $0x0  }
0x79: {  	s28 =	sadd.s32 $0x80, s26;
	[sflag:s18] =	ssyncadd.s32 $0xFFFFC180  }
0x7a: {  	[tilespmem:s19], [sflag:$0x2] =	stream.indirect.gather [hbm4b:s2+s16], $0x80, s28, s16, $0xb8;
	[tilespmem:$0x1E800] =	vst v63  }
0x7b: {  	s28 =	sadd.s32 $0x1400, s26  }
0x7c: {  	[spmem:s3] =	stream.indirect.scatter.add.f32 [tilespmem:s17], [sflag:$0x3], $0x80, s28, s16, $0xb8;
	[tilespmem:$0x1E800] =	vst v63  }
0x7d: {  	_ =	swait.ge [sflag:s14], $0x3E80  }
0x7e: {  	[sflag:s14] =	ssyncset.done $0x0  }
0x7f: {  	[sflag:s14] =	ssyncadd.s32 $0xFFFFC180  }
0x80: {  	_ =	swait.ge [sflag:s20], $0x3E80  }
0x81: {  	[sflag:s20] =	ssyncset.done $0x0  }
0x82: {  	s28 =	sadd.s32 $0x100, s26;
	[sflag:s20] =	ssyncadd.s32 $0xFFFFC180  }
0x83: {  	[tilespmem:s17], [sflag:$0x1] =	stream.indirect.gather [hbm4b:s2+s16], $0x80, s28, s16, $0xb8;
	[tilespmem:$0x1E800] =	vst v63  }
.Ltmp1:
0x84: {  	_ = 	snop;
	(pc) =	sbr.rel @p0 .LBB2_4-.Ltmp1, $4  }
0x85: {  	s26 =	sadd.s32 $0x1480, s26  }
0x86: {  	[spmem:s3] =	stream.indirect.scatter.add.f32 [tilespmem:s19], [sflag:$0x3], $0x80, s26, s16, $0xb8;
	[tilespmem:$0x1E800] =	vst v63  }
0x87: {  	_ =	swait.ge [sflag:s14], $0x3E80  }
0x88: {  	[sflag:s14] =	ssyncset.done $0x0  }
0x89: {  	[sflag:s14] =	ssyncadd.s32 $0xFFFFC180  }
0x8a: {  	_ =	swait.ge [sflag:s18], $0x3E80  }
0x8b: {  	[sflag:s18] =	ssyncset.done $0x0  }
0x8c: {  	[sflag:s18] =	ssyncadd.s32 $0xFFFFC180  }
0x8d: {  	[tilespmem:s19], [sflag:$0x2] =	stream.indirect.gather [hbm4b:s2+s16], $0x80, s21, s16, $0xb8;
	[tilespmem:$0x1E800] =	vst v63  }
0x8e: {  	_ = 	snop  }
0x8f: {  	[spmem:s3] =	stream.indirect.scatter.add.f32 [tilespmem:s17], [sflag:$0x3], $0x80, s22, s16, $0xb8;
	[tilespmem:$0x1E800] =	vst v63  }
0x90: {  	_ =	swait.ge [sflag:s14], $0x3E80  }
0x91: {  	[sflag:s14] =	ssyncset.done $0x0  }
0x92: {  	[sflag:s14] =	ssyncadd.s32 $0xFFFFC180  }
0x93: {  	_ =	swait.ge [sflag:s20], $0x3E80  }
0x94: {  	[sflag:s20] =	ssyncset.done $0x0  }
0x95: {  	[sflag:s20] =	ssyncadd.s32 $0xFFFFC180  }
0x96: {  	[spmem:s3] =	stream.indirect.scatter.add.f32 [tilespmem:s19], [sflag:$0x3], $0x80, s23, s16, $0xb8;
	[tilespmem:$0x1E800] =	vst v63  }
0x97: {  	_ =	swait.ge [sflag:s14], $0x3E80  }
0x98: {  	s24 =	sadd.s32 $0x1, s24;
	[sflag:s14] =	ssyncset.done $0x0  }
0x99: {  	p0 =	sne.s32 s24, s8;
	[sflag:s14] =	ssyncadd.s32 $0xFFFFC180  }
.Ltmp2:
0x9a: {  	[bflag:$0x0] =	sbarrier.arrive $0xFFFF;
	(pc) =	sbr.rel @p0 .LBB2_1-.Ltmp2, $4  }
0x9b: {  	[hbm:s7], [sflag:s6] =	dma.local [spmem:s13], $0x2800  }
0x9c: {  	_ =	swait.ge [sflag:s14], $0x2800  }
0x9d: {  	[sflag:s14] =	ssyncset.done $0x0  }
0x9e: {  	[sflag:s14] =	ssyncadd.s32 $0xFFFFD800  }
0x9f: {  	_ =	sfence.sel $0x180000  }
0xa0: {  	[bflag:$0x0] =	sbarrier.arrive $0xFFFF  }
0xa1: {  	p0 =	sne.s32 s1, $0x0;
	_ =	strace $0x9000004D  }
0xa2: {  	s0 =	sadd.s32 @!p0 $0x100000, s0;
	[bflag:$0x2] =	sbarrier.arrive $0xFFFF  }
0xa3: {  	[sflag:s0] =	ssyncadd.tile.s32 @!p0 $0x1;
	_ =	shalt  }
.Lfunc_end2:
_tile_overlayer_lowered:
.L_overlay_start_2:
0xa4: {  	(tag) =	ssettag $0x2  }
0xa5: {  	s0 =	rddreg [dreg:$0x0];
	s2 =	stileid.u32  }
0xa6: {  	s1 =	rddreg [dreg:$0x1];
	p0 =	sne.s32 s2, $0x0  }
0xa7: {  	s3 =	rddreg [dreg:$0x2];
	[bflag:$0x3] =	sbarrier.arrive $0xFFFF;
	s2 =	simm.s32 @!p0 $0x1C03  }
0xa8: {  	[timem:s3], [sflag:s2] =	dma.local @!p0 [hbm:s0], s1  }
0xa9: {  	s0 =	simm.s32 @!p0 $0x3  }
0xaa: {  	_ =	swait.ge @!p0 [sflag:s0], s1  }
0xab: {  	s1 =	ssub.s32 @!p0 $0x0, s1;
	[sflag:s0] =	ssyncset.done @!p0 $0x0  }
0xac: {  	[sflag:s0] =	ssyncadd.s32 @!p0 s1  }
0xad: {  	[bflag:$0x3] =	sbarrier.arrive $0xFFFF  }
0xae: {  	_ =	shalt  }

// kernel: kernel.8.cloned.1.call-start
scs
__scs_entry_jumppad:
0x0: {  	(pc) =	sbr.rel $0x88, $3  }
0x1: {  	(tag) =	ssettag $0x0;
	lr =	simm.s32 $0x1  }
0x2: {  	[smem:$0x3F95] =	sst lr;
	_ =	strace $0xD0000000  }
0x3: {  	_ = 	snop  }
0x4: {  	_ = 	snop  }
0x5: {  	_ = 	snop  }
0x6: {  	_ = 	snop  }
0x7: {  	_ = 	snop  }
__scs_overlays_trampoline_lowered:
0x8: {  	[smem:$0x3FA4] =	sst s0  }
0x9: {  	[smem:$0x3FA5] =	sst s1  }
0xa: {  	[smem:$0x3FA6] =	sst s2  }
0xb: {  	[smem:$0x3FA7] =	sst s3  }
0xc: {  	[smem:$0x3FA8] =	sst s4  }
0xd: {  	[smem:$0x3FA9] =	sst s5  }
0xe: {  	[smem:$0x3FAA] =	sst s6  }
0xf: {  	[smem:$0x3FAB] =	sst s7  }
0x10: {  	[smem:$0x3FAC] =	sst s8  }
0x11: {  	[smem:$0x3FAD] =	sst s9;
	s0 =	simm.s32 @!p0 $0x0  }
0x12: {  	s1 =	sld [smem:$0x3F93];
	s0 =	simm.s32 @p0 $0x1  }
0x13: {  	[smem:$0x3FAE] =	sst s0;
	s0 =	simm.s32 @!p1 $0x0  }
0x14: {  	s2 =	sld [smem:$0x3F92];
	s0 =	simm.s32 @p1 $0x1  }
0x15: {  	[smem:$0x3FAF] =	sst s0;
	s0 =	simm.s32 @!p2 $0x0  }
0x16: {  	s3 =	sld [smem:$0x3FDB];
	s0 =	simm.s32 @p2 $0x1  }
0x17: {  	s4 =	simm.s32 $0x1BF5;
	[smem:$0x3FB1] =	sst s0  }
0x18: {  	s0 =	sld [smem:$0x3F94];
	_ =	swait.ge [sflag:s4], $0x0  }
0x19: {  	s7 =	sld [smem:$0x3F95]  }
0x1a: {  	s8 =	sadd.s32 $0xFFFFE003, lr  }
0x1b: {  	s9 =	sadd.s32 $0xFFFFFEF7, lr;
	s5 =	simm.s32 $0xFFFFFFFF;
	p2 =	slt.u32 s8, $0xFFFFF086  }
0x1c: {  	p1 =	slt.u32 s9, $0xF7A;
	s5 =	simm.s32 @!p2 $0x0  }
0x1d: {  	s5 =	simm.s32 @p1 $0x1;
	p0 =	seq.s32 s7, s2  }
0x1e: {  	s7 =	smul.u32 @!p0 $0xF7A, s2;
	p2 =	seq.s32 @!p0 s5, $0x0  }
0x1f: {  	s9 =	smul.u32 $0xF7A, s1;
	s8 =	simm.s32 @!p0 $0x1BF5;
	p2 =	por !p2, p0  }
0x20: {  	[sflag:s8] =	ssyncset.s32 @!p0 $0xFFFFF086;
	s6 =	sadd.s32 @!p0 s3, s7;
	s7 =	simm.s32 @!p0 $0x108  }
0x21: {  	s3 =	sadd.s32 s3, s9;
	s6 =	sadd.s32 @!p0 $0x88, s6;
	s7 =	simm.s32 @p2 $0x1082  }
0x22: {  	[simem:s7], [sflag:s8] =	dma.local @!p0 [hbm:s6], $0xF7A  }
0x23: {  	s9 =	sor.u32 $0xD0000000, s2;
	s6 =	simm.s32 $0x108;
	_ =	swait.ge @!p0 [sflag:s8], $0x0  }
0x24: {  	s3 =	sadd.s32 $0x88, s3;
	s6 =	simm.s32 @!p1 $0x1082;
	[sflag:s4] =	ssyncset.s32 $0xFFFFF086  }
0x25: {  	[simem:s6], [sflag:s4] =	dma.local [hbm:s3], $0xF7A  }
0x26: {  	[smem:$0x3F95] =	sst s1;
	(tag) =	ssettag s2;
	_ =	strace s9  }
0x27: {  	s1 =	sld [smem:$0x3FA5]  }
0x28: {  	s2 =	sld [smem:$0x3FA6]  }
0x29: {  	s4 =	sld [smem:$0x3FA8]  }
0x2a: {  	p0 =	seq.s32 s5, $0x0;
	s5 =	sld [smem:$0x3FA9]  }
0x2b: {  	s6 =	sld [smem:$0x3FAA]  }
0x2c: {  	s7 =	sld [smem:$0x3FAB]  }
0x2d: {  	s3 =	simm.s32 $0x108;
	s8 =	sld [smem:$0x3FAC]  }
0x2e: {  	s3 =	simm.s32 @!p0 $0x1082;
	s9 =	sld [smem:$0x3FAD]  }
0x2f: {  	lr =	sadd.s32 s0, s3;
	s0 =	sld [smem:$0x3FA4]  }
0x30: {  	s3 =	sld [smem:$0x3FA7]  }
0x31: {  	[smem:$0x3FB0] =	sst s10  }
0x32: {  	s10 =	sld [smem:$0x3FAE];
	_ =	sdelay $0x3  }
0x33: {  	p0 =	seq.s32 s10, $0x1;
	s10 =	sld [smem:$0x3FB0];
	_ =	sdelay $0x3  }
0x34: {  	[smem:$0x3FB0] =	sst s10  }
0x35: {  	s10 =	sld [smem:$0x3FAF];
	_ =	sdelay $0x3  }
0x36: {  	p1 =	seq.s32 s10, $0x1;
	s10 =	sld [smem:$0x3FB0];
	_ =	sdelay $0x3  }
0x37: {  	[smem:$0x3FB0] =	sst s10  }
0x38: {  	s10 =	sld [smem:$0x3FB1]  }
0x39: {  	_ = 	snop;
	(pc) =	sbr.ind lr, $3  }
0x3a: {  	_ = 	snop  }
0x3b: {  	_ = 	snop  }
0x3c: {  	p2 =	seq.s32 s10, $0x1;
	s10 =	sld [smem:$0x3FB0]  }
0x3d: {  	_ =	shalt  }
0x3e: {  	_ =	shalt  }
0x3f: {  	_ =	shalt  }
0x40: {  	_ =	shalt  }
0x41: {  	_ =	shalt  }
0x42: {  	_ =	shalt  }
0x43: {  	_ =	shalt  }
0x44: {  	_ =	shalt  }
0x45: {  	_ =	shalt  }
0x46: {  	_ =	shalt  }
0x47: {  	_ =	shalt  }
0x48: {  	_ =	shalt  }
0x49: {  	_ =	shalt  }
0x4a: {  	_ =	shalt  }
0x4b: {  	_ =	shalt  }
0x4c: {  	_ =	shalt  }
0x4d: {  	_ =	shalt  }
0x4e: {  	_ =	shalt  }
0x4f: {  	_ =	shalt  }
0x50: {  	_ =	shalt  }
0x51: {  	_ =	shalt  }
0x52: {  	_ =	shalt  }
0x53: {  	_ =	shalt  }
0x54: {  	_ =	shalt  }
0x55: {  	_ =	shalt  }
0x56: {  	_ =	shalt  }
0x57: {  	_ =	shalt  }
0x58: {  	_ =	shalt  }
0x59: {  	_ =	shalt  }
0x5a: {  	_ =	shalt  }
0x5b: {  	_ =	shalt  }
0x5c: {  	_ =	shalt  }
0x5d: {  	_ =	shalt  }
0x5e: {  	_ =	shalt  }
0x5f: {  	_ =	shalt  }
0x60: {  	_ =	shalt  }
0x61: {  	_ =	shalt  }
0x62: {  	_ =	shalt  }
0x63: {  	_ =	shalt  }
0x64: {  	_ =	shalt  }
0x65: {  	_ =	shalt  }
0x66: {  	_ =	shalt  }
0x67: {  	_ =	shalt  }
0x68: {  	_ =	shalt  }
0x69: {  	_ =	shalt  }
0x6a: {  	_ =	shalt  }
0x6b: {  	_ =	shalt  }
0x6c: {  	_ =	shalt  }
0x6d: {  	_ =	shalt  }
0x6e: {  	_ =	shalt  }
0x6f: {  	_ =	shalt  }
0x70: {  	_ =	shalt  }
0x71: {  	_ =	shalt  }
0x72: {  	_ =	shalt  }
0x73: {  	_ =	shalt  }
0x74: {  	_ =	shalt  }
0x75: {  	_ =	shalt  }
0x76: {  	_ =	shalt  }
0x77: {  	_ =	shalt  }
0x78: {  	_ =	shalt  }
0x79: {  	_ =	shalt  }
0x7a: {  	_ =	shalt  }
0x7b: {  	_ =	shalt  }
0x7c: {  	_ =	shalt  }
0x7d: {  	_ =	shalt  }
0x7e: {  	_ =	shalt  }
0x7f: {  	_ =	shalt  }
0x80: {  	_ =	shalt  }
0x81: {  	_ =	shalt  }
0x82: {  	_ =	shalt  }
0x83: {  	_ =	shalt  }
0x84: {  	_ =	shalt  }
0x85: {  	_ =	shalt  }
0x86: {  	_ =	shalt  }
0x87: {  	_ =	shalt  }
.Lfunc_end0:
.L_simem_size_0:
called_computation_lowered:
.L_overlay_start_0:
0x88: {  	s2 =	sld [smem:$0x3FD9]  }
0x89: {  	s3 =	sld [smem:$0x3FFE];
	_ =	sdelay $0x1  }
0x8a: {  	s1 =	srdreg.scid  }
0x8b: {  	s0 =	sand.u32 $0x1, s1  }
0x8c: {  	s17 =	sshll.u32 s0, $0xA;
	s2 =	sadd.s32 s3, s2  }
0x8d: {  	s2 =	sadd.s32 s2, s17  }
0x8e: {  	[smem:$0x3FBC] =	sst s2  }
0x8f: {  	_ = 	snop  }
0x90: {  	s2 =	sld [smem:$0x3FD0];
	(tm) =	ssettm $0x1  }
0x91: {  	s18 =	sld [smem:$0x3FFB];
	_ =	sdelay $0x3  }
0x92: {  	_ =	strace s18  }
0x93: {  	s3 =	sld [smem:$0x3FFC];
	_ =	sdelay $0x3  }
0x94: {  	_ =	strace s3  }
0x95: {  	s3 =	sld [smem:$0x3FFD];
	_ =	sdelay $0x3  }
0x96: {  	_ =	strace s3  }
0x97: {  	_ =	strace $0x8FFFFFFF  }
0x98: {  	s19 =	sld [smem:$0x3FDB];
	_ =	sdelay $0x1  }
0x99: {  	s4 =	simm.s32 $_scs_section_size  }
0x9a: {  	s5 =	simm.s32 $_size__tile_overlayer_lowered;
	s6 =	simm.s32 $_tile_overlayer_lowered  }
0x9b: {  	s22 =	simm.s32 $0x1BFF;
	s21 =	sshll.u32 s6, $0x1;
	s3 =	sadd.s32 s4, s19  }
0x9c: {  	s7 =	simm.s32 $0x0;
	s20 =	sshll.u32 s5, $0x1;
	s5 =	sadd.s32 s21, s3  }
0x9d: {  	[timem:s7], [sflag:s22] =	dma.local [hbm:s5], s20  }
0x9e: {  	_ =	swait.ge [sflag:s22], s20  }
0x9f: {  	s4 =	ssub.s32 $0x0, s20;
	[sflag:s22] =	ssyncset.done $0x0  }
0xa0: {  	[sflag:s22] =	ssyncadd.s32 s4;
	_ =	sdelay $0x1  }
0xa1: {  	s23 =	simm.s32 $0x1B8B  }
0xa2: {  	_ =	swait.ge [sflag:s23], $0x1  }
0xa3: {  	[sflag:s23] =	ssyncset.done $0x0  }
0xa4: {  	s25 =	simm.s32 $0x1B8E;
	s24 =	sld [smem:$0x3FFE];
	[sflag:s23] =	ssyncadd.s32 $0xFFFFFFFF  }
0xa5: {  	s26 =	simm.s32 $execute0_lowered;
	[smem:$0x3FD2] =	sst s25  }
0xa6: {  	s5 =	sshll.u32 s26, $0x1;
	_ =	strace $0x80000046;
	[dreg:$0x1] =	wrdreg $0xFFFFFFFF  }
0xa7: {  	s28 =	simm.s32 $_size_execute0_lowered;
	s3 =	sadd.s32 s3, s5;
	[dreg:$0x0] =	wrdreg $0x0  }
0xa8: {  	s5 =	sshll.u32 s28, $0x1;
	[dreg:$0x2] =	wrdreg s3  }
0xa9: {  	[dreg:$0x3] =	wrdreg s5  }
0xaa: {  	[dreg:$0x4] =	wrdreg $0xC0  }
0xab: {  	_ =	task [dreg:s7], $0x5FFFF  }
0xac: {  	[dreg:$0x1] =	wrdreg $0xFFFFFFFF  }
0xad: {  	[dreg:$0x0] =	wrdreg $0x60  }
0xae: {  	[dreg:$0x2] =	wrdreg s24  }
0xaf: {  	[dreg:$0x3] =	wrdreg s2  }
0xb0: {  	[dreg:$0x4] =	wrdreg $0x28800  }
0xb1: {  	[dreg:$0x5] =	wrdreg $0x9  }
0xb2: {  	_ =	task.clear_ibuf [dreg:s7], $0x6FFFF;
	_ =	strace $0x90000046  }
0xb3: {  	s29 =	simm.s32 $0x9;
	_ =	strace $0x80000048  }
0xb4: {  	_ =	swait.ge [sflag:s29], $0x1  }
0xb5: {  	[sflag:s29] =	ssyncadd.s32 $0xFFFFFFFF  }
0xb6: {  	_ =	strace $0x90000048  }
0xb7: {  	_ =	sfence  }
0xb8: {  	s30 =	sld [smem:$0x0];
	_ =	sdelay $0x2  }
0xb9: {  	s31 =	sshll.u32 s1, $0xD;
	s1 =	sshrl.u32 s1, $0x2  }
0xba: {  	s3 =	sand.u32 $0x4000, s31;
	s1 =	sadd.s32 s1, s30  }
0xbb: {  	s0 =	sor.u32 s3, s0;
	s1 =	sshll.u32 s1, $0x11  }
0xbc: {  	s0 =	sor.u32 s1, s0  }
0xbd: {  	s0 =	sadd.s32 $0x8F2B, s0  }
0xbe: {  	[sflag:s0] =	ssyncadd.remote.s32 $0x1  }
0xbf: {  	_ =	sfence.sel $0xFFFF  }
0xc0: {  	[dreg:$0x0] =	wrdreg $0xFFFFFFFF;
	(pc) =	sbr.abs _section_cstart, $3  }
0xc1: {  	[dreg:$0x1] =	wrdreg $0xFFFFFFFF  }
0xc2: {  	_ =	task.clear_ibuf [dreg:s7], $0x2FFFF;
	_ =	strace $0x9FFFFFFF  }
0xc3: {  	(tm) =	ssettm $0x7FFFFFFF  }
tec
execute0_lowered:
.L_overlay_start_1:
0x0: {  	(tag) =	ssettag $0x1  }
0x1: {  	s5 =	rddreg [dreg:$0x0]  }
0x2: {  	s1 =	srdreg.scid;
	s8 =	rddreg [dreg:$0x1]  }
0x3: {  	s0 =	stileid.u32;
	s2 =	rddreg [dreg:$0x2];
	s3 =	simm.s32 $0x0  }
0x4: {  	s13 =	simm.s32 $0x7D;
	s14 =	simm.s32 $0x20;
	s15 =	simm.s32 $0x10  }
0x5: {  	s16 =	simm.s32 $0x0;
	s6 =	sand.u32 $0x1, s1;
	s1 =	rddreg [dreg:$0x3]  }
0x6: {  	s26 =	sshll.u32 s0, $0x1;
	[smem:$0x7FF] =	sst s3;
	s7 =	smul.u32 $0x280, s0  }
0x7: {  	s12 =	smul.u32 $0x500, s0;
	s30 =	sshll.u32 s0, $0x6;
	s4 =	sor.u32 s6, s26  }
0x8: {  	_ =	strace $0x80000047;
	s11 =	ssub.s32 $0x2, s6;
	s6 =	sshll.u32 s6, $0x7  }
0x9: {  	s4 =	smul.u32 $0x500, s4;
	s10 =	sshrl.u32 s7, $0x3;
	s28 =	sshrl.u32 s11, $0x1  }
0xa: {  	s29 =	sadd.s32 s7, s2;
	s12 =	sor.u32 s6, s12;
	s6 =	sor.u32 $0x1C01, s30  }
0xb: {  	s31 =	sshrl.u32 s12, $0x3;
	s12 =	simm.s32 $0x2800;
	s9 =	sadd.s32 s4, s5  }
0xc: {  	s4 =	sadd.s32 $0xCA00, s5;
	s5 =	sadd.s32 s10, s5;
	s10 =	ssub.s32 s11, s28  }
0xd: {  	s8 =	sadd.s32 s8, s31;
	s11 =	simm.s32 $0x1;
	s5 =	sadd.s32 $0xCC00, s5  }
0xe: {  	s7 =	sadd.s32 $0x2A00, s9;
	s9 =	smax.u32 s10, $0x1;
	s10 =	sshrl.u32 s29, $0x3  }
.LBB2_1:
0xf: {  	[spmem:s10], [sflag:s6] =	dma.local [hbm:s5], $0x50  }
0x10: {  	_ =	swait.ge [sflag:s11], $0x50  }
0x11: {  	[sflag:s11] =	ssyncset.done $0x0  }
0x12: {  	[sflag:s11] =	ssyncadd.s32 $0xFFFFFFB0  }
0x13: {  	[tilespmem:s3], [sflag:$0x1] =	stream.linear.gather [hbm4b:s7+s3], $0x2800, $0x38;
	[tilespmem:$0x2B00] =	vst v63  }
0x14: {  	_ =	swait.ge [sflag:s11], $0x2800  }
0x15: {  	[sflag:s11] =	ssyncset.done $0x0  }
0x16: {  	[sflag:s11] =	ssyncadd.s32 $0xFFFFD800  }
0x17: {  	[tilespmem:s12], [sflag:$0x1] =	stream.linear.gather [hbm4b:s4+s3], $0x80, $0x38;
	[tilespmem:$0x2B00] =	vst v63  }
0x18: {  	_ =	swait.ge [sflag:s11], $0x80  }
0x19: {  	[sflag:s11] =	ssyncset.done $0x0  }
0x1a: {  	[sflag:s11] =	ssyncadd.s32 $0xFFFFFF80  }
0x1b: {  	s17 =	simm.s32 $0x0;
	[bflag:$0x0] =	sbarrier.arrive $0xFFFF  }
0x1c: {  	[spmem:s2] =	stream.indirect.scatter.add.f32 [tilespmem:s12], [sflag:$0x1], $0x1, s17, s13, $0xb8;
	[tilespmem:$0x2B00] =	vst v63  }
0x1d: {  	_ =	swait.ge [sflag:s11], $0x7D  }
0x1e: {  	s17 =	simm.s32 $0x200;
	[sflag:s11] =	ssyncset.done $0x0  }
.LBB2_2:
0x1f: {  	s18 =	sshra.s32 s17, $0x2;
	[sflag:s11] =	ssyncadd.s32 $0xFFFFFF83;
	p0 =	sne.s32 s17, $0x9E00  }
0x20: {  	[spmem:s2] =	stream.indirect.scatter.add.f32 [tilespmem:s12], [sflag:$0x1], $0x1, s18, s13, $0xb8;
	[tilespmem:$0x2B00] =	vst v63  }
.Ltmp0:
0x21: {  	_ = 	snop;
	(pc) =	sbr.rel @p0 .LBB2_2-.Ltmp0, $4  }
0x22: {  	_ = 	snop  }
0x23: {  	s17 =	sadd.s32 $0x200, s17  }
0x24: {  	_ =	swait.ge [sflag:s11], $0x7D  }
0x25: {  	[sflag:s11] =	ssyncset.done $0x0  }
0x26: {  	s16 =	sadd.s32 $0x1, s16  }
0x27: {  	[sflag:s11] =	ssyncadd.s32 $0xFFFFFF83;
	p0 =	sne.s32 s16, s9  }
.Ltmp1:
0x28: {  	[bflag:$0x0] =	sbarrier.arrive $0xFFFF;
	(pc) =	sbr.rel @p0 .LBB2_1-.Ltmp1, $4  }
0x29: {  	[hbm:s8@s14], [sflag:s6] =	dma.strided [spmem:s10@s15], $0x50, s11, $0x10   }
0x2a: {  	_ =	swait.ge [sflag:s11], $0x50  }
0x2b: {  	[sflag:s11] =	ssyncset.done $0x0  }
0x2c: {  	[sflag:s11] =	ssyncadd.s32 $0xFFFFFFB0  }
0x2d: {  	_ =	sfence.sel $0x180000  }
0x2e: {  	[bflag:$0x0] =	sbarrier.arrive $0xFFFF  }
0x2f: {  	p0 =	sne.s32 s0, $0x0;
	_ =	strace $0x90000047  }
0x30: {  	s0 =	sadd.s32 @!p0 $0x100000, s1;
	[bflag:$0x2] =	sbarrier.arrive $0xFFFF  }
0x31: {  	[sflag:s0] =	ssyncadd.tile.s32 @!p0 $0x1;
	_ =	shalt  }
.Lfunc_end2:
_tile_overlayer_lowered:
.L_overlay_start_2:
0x32: {  	(tag) =	ssettag $0x2  }
0x33: {  	s0 =	rddreg [dreg:$0x0];
	s2 =	stileid.u32  }
0x34: {  	s1 =	rddreg [dreg:$0x1];
	p0 =	sne.s32 s2, $0x0  }
0x35: {  	s3 =	rddreg [dreg:$0x2];
	[bflag:$0x3] =	sbarrier.arrive $0xFFFF;
	s2 =	simm.s32 @!p0 $0x1C01  }
0x36: {  	[timem:s3], [sflag:s2] =	dma.local @!p0 [hbm:s0], s1  }
0x37: {  	s0 =	simm.s32 @!p0 $0x1  }
0x38: {  	_ =	swait.ge @!p0 [sflag:s0], s1  }
0x39: {  	s1 =	ssub.s32 @!p0 $0x0, s1;
	[sflag:s0] =	ssyncset.done @!p0 $0x0  }
0x3a: {  	[sflag:s0] =	ssyncadd.s32 @!p0 s1  }
0x3b: {  	[bflag:$0x3] =	sbarrier.arrive $0xFFFF  }
0x3c: {  	_ =	shalt  }

</sc_bundles>
